<compile_context>
chip_gen: v7x
topology: tpu7x:2x2x1
jax: 0.10.2.dev20260603
libtpu: 0.0.44.dev20260713+nightly
codegen_flags: <defaults>
</compile_context>

<pallas_src>
import functools

import jax
import jax.numpy as jnp
from jax import lax
from jax.experimental import pallas as pl
from jax.experimental.pallas import tpu as pltpu
from jax.experimental.pallas import tpu_sc as plsc

N = 10000
E = 320000
D_IN = 128
H1 = 128
H2 = 64
H3 = 64
G = 128

NC = 2
NS = 16
CHUNK = 128
CHUNKS = -(-E // (NC * NS * CHUNK))
E_PAD = NC * NS * CHUNKS * CHUNK

N_PAD = 10240
STRIPE = N_PAD // NS
DUMMY = 10200
R = 512
N_BLK = N_PAD // R

_MESH = plsc.VectorSubcoreMesh(core_axis_name="c", subcore_axis_name="s",
                               num_cores=NC, num_subcores=NS)



def _deg_body(dst_hbm, zeros_hbm, out_hbm, idx_v, ones_v, acc, sem):
    c = lax.axis_index("c")
    s = lax.axis_index("s")
    pltpu.sync_copy(dst_hbm.at[c, s], idx_v)

    def fill(j, carry):
        ones_v[j, :] = jnp.full((16,), 1.0, jnp.float32)
        return carry
    lax.fori_loop(0, CHUNK, fill, 0)

    pltpu.sync_copy(zeros_hbm.at[pl.ds(s * STRIPE, STRIPE)],
                    acc.at[pl.ds(s * STRIPE, STRIPE)])
    plsc.subcore_barrier()

    def step(j, carry):
        pltpu.sync_copy(ones_v, acc.at[idx_v.at[j]], add=True)
        return carry
    lax.fori_loop(0, CHUNKS, step, 0)

    plsc.subcore_barrier()
    pltpu.sync_copy(acc.at[pl.ds(s * STRIPE, STRIPE)],
                    out_hbm.at[c, pl.ds(s * STRIPE, STRIPE)])


_deg_kernel = functools.partial(
    pl.kernel,
    out_type=jax.ShapeDtypeStruct((NC, N_PAD, 16), jnp.float32),
    mesh=_MESH,
    scratch_types=[
        pltpu.VMEM((CHUNKS, CHUNK), jnp.int32),
        pltpu.VMEM((CHUNK, 16), jnp.float32),
        pltpu.VMEM_SHARED((N_PAD, 16), jnp.float32),
        pltpu.SemaphoreType.DMA,
    ],
)(_deg_body)


def _make_agg_kernel(h):
    def body(ht_hbm, src_hbm, dst_hbm, zeros_hbm, out_hbm,
             src_v, dst_v, rows_v, acc, sem):
        c = lax.axis_index("c")
        s = lax.axis_index("s")
        pltpu.sync_copy(src_hbm.at[c, s], src_v)
        pltpu.sync_copy(dst_hbm.at[c, s], dst_v)
        pltpu.sync_copy(zeros_hbm.at[pl.ds(s * STRIPE, STRIPE)],
                        acc.at[pl.ds(s * STRIPE, STRIPE)])
        plsc.subcore_barrier()

        def step(j, carry):
            pltpu.async_copy(ht_hbm.at[src_v.at[j]], rows_v, sem).wait()
            pltpu.sync_copy(rows_v, acc.at[dst_v.at[j]], add=True)
            return carry
        lax.fori_loop(0, CHUNKS, step, 0)

        plsc.subcore_barrier()
        pltpu.sync_copy(acc.at[pl.ds(s * STRIPE, STRIPE)],
                        out_hbm.at[c, pl.ds(s * STRIPE, STRIPE)])

    return functools.partial(
        pl.kernel,
        out_type=jax.ShapeDtypeStruct((NC, N_PAD, h), jnp.float32),
        mesh=_MESH,
        compiler_params=pltpu.CompilerParams(use_tc_tiling_on_sc=False),
        scratch_types=[
            pltpu.VMEM((CHUNKS, CHUNK), jnp.int32),
            pltpu.VMEM((CHUNKS, CHUNK), jnp.int32),
            pltpu.VMEM((CHUNK, h), jnp.float32),
            pltpu.VMEM_SHARED((N_PAD, h), jnp.float32),
            pltpu.SemaphoreType.DMA,
        ],
    )(body)


_agg128 = _make_agg_kernel(128)
_agg64 = _make_agg_kernel(64)



def _pre_body(x_ref, d0_ref, d1_ref, w_ref, ht_ref, dinv_ref):
    deg = d0_ref[...] + d1_ref[...] + 1.0
    dinv = lax.rsqrt(deg)
    h = jnp.dot(x_ref[...], w_ref[...], preferred_element_type=jnp.float32)
    ht_ref[...] = h * dinv
    dinv_ref[...] = dinv


def _pre_call(x, d0, d1, w):
    return pl.pallas_call(
        _pre_body,
        grid=(N_BLK,),
        in_specs=[
            pl.BlockSpec((R, D_IN), lambda i: (i, 0)),
            pl.BlockSpec((R, 1), lambda i: (i, 0)),
            pl.BlockSpec((R, 1), lambda i: (i, 0)),
            pl.BlockSpec((D_IN, H1), lambda i: (0, 0)),
        ],
        out_specs=[
            pl.BlockSpec((R, H1), lambda i: (i, 0)),
            pl.BlockSpec((R, 1), lambda i: (i, 0)),
        ],
        out_shape=[
            jax.ShapeDtypeStruct((N_PAD, H1), jnp.float32),
            jax.ShapeDtypeStruct((N_PAD, 1), jnp.float32),
        ],
    )(x, d0, d1, w)


def _mid_body(p0_ref, p1_ref, ht_ref, dinv_ref, b_ref, w_ref, out_ref):
    dinv = dinv_ref[...]
    raw = p0_ref[...] + p1_ref[...] + ht_ref[...]
    xl = jnp.maximum(raw * dinv + b_ref[...], 0.0)
    out_ref[...] = jnp.dot(
        xl, w_ref[...], preferred_element_type=jnp.float32) * dinv


def _mid_call(p0, p1, ht, dinv, b, w):
    h_in = ht.shape[1]
    h_out = w.shape[1]
    return pl.pallas_call(
        _mid_body,
        grid=(N_BLK,),
        in_specs=[
            pl.BlockSpec((R, h_in), lambda i: (i, 0)),
            pl.BlockSpec((R, h_in), lambda i: (i, 0)),
            pl.BlockSpec((R, h_in), lambda i: (i, 0)),
            pl.BlockSpec((R, 1), lambda i: (i, 0)),
            pl.BlockSpec((1, h_in), lambda i: (0, 0)),
            pl.BlockSpec((h_in, h_out), lambda i: (0, 0)),
        ],
        out_specs=pl.BlockSpec((R, h_out), lambda i: (i, 0)),
        out_shape=jax.ShapeDtypeStruct((N_PAD, h_out), jnp.float32),
    )(p0, p1, ht, dinv, b, w)


def _post_body(p0_ref, p1_ref, ht_ref, dinv_ref, b_ref, batch_ref, out_ref,
               sums_acc, cnt_acc):
    i = pl.program_id(0)

    @pl.when(i == 0)
    def _():
        sums_acc[...] = jnp.zeros_like(sums_acc)
        cnt_acc[...] = jnp.zeros_like(cnt_acc)

    dinv = dinv_ref[...]
    xl = jnp.maximum(
        (p0_ref[...] + p1_ref[...] + ht_ref[...]) * dinv + b_ref[...], 0.0)
    bt = batch_ref[0]
    gids = lax.broadcasted_iota(jnp.int32, (G, R), 0)
    mask = (jnp.broadcast_to(bt, (G, R)) == gids).astype(jnp.float32)
    sums_acc[...] += jnp.dot(mask, xl, preferred_element_type=jnp.float32)
    cnt_acc[...] += jnp.sum(mask, axis=1, keepdims=True)

    @pl.when(i == pl.num_programs(0) - 1)
    def _():
        out_ref[...] = sums_acc[...] / jnp.maximum(cnt_acc[...], 1.0)


def _post_call(p0, p1, ht, dinv, b, batch3d):
    h_in = ht.shape[1]
    return pl.pallas_call(
        _post_body,
        grid=(N_BLK,),
        in_specs=[
            pl.BlockSpec((R, h_in), lambda i: (i, 0)),
            pl.BlockSpec((R, h_in), lambda i: (i, 0)),
            pl.BlockSpec((R, h_in), lambda i: (i, 0)),
            pl.BlockSpec((R, 1), lambda i: (i, 0)),
            pl.BlockSpec((1, h_in), lambda i: (0, 0)),
            pl.BlockSpec((1, 1, R), lambda i: (i, 0, 0)),
        ],
        out_specs=pl.BlockSpec((G, h_in), lambda i: (0, 0)),
        out_shape=jax.ShapeDtypeStruct((G, h_in), jnp.float32),
        scratch_shapes=[
            pltpu.VMEM((G, h_in), jnp.float32),
            pltpu.VMEM((G, 1), jnp.float32),
        ],
    )(p0, p1, ht, dinv, b, batch3d)



def kernel(x, edge_index, batch, W1, b1, W2, b2, W3, b3):
    src = edge_index[0].astype(jnp.int32)
    dst = edge_index[1].astype(jnp.int32)
    src_r = jnp.pad(src, (0, E_PAD - E)).reshape(NC, NS, CHUNKS, CHUNK)
    dst_r = jnp.pad(dst, (0, E_PAD - E),
                    constant_values=DUMMY).reshape(NC, NS, CHUNKS, CHUNK)
    x_p = jnp.pad(x, ((0, N_PAD - N), (0, 0)))
    batch3d = jnp.pad(batch.astype(jnp.int32), (0, N_PAD - N),
                      constant_values=G).reshape(N_BLK, 1, R)

    zeros16 = jnp.zeros((N_PAD, 16), jnp.float32)
    zeros128 = jnp.zeros((N_PAD, 128), jnp.float32)
    zeros64 = jnp.zeros((N_PAD, 64), jnp.float32)

    degp = _deg_kernel(dst_r, zeros16)
    ht1, dinv = _pre_call(x_p, degp[0, :, :1], degp[1, :, :1], W1)
    p = _agg128(ht1, src_r, dst_r, zeros128)
    ht2 = _mid_call(p[0], p[1], ht1, dinv, b1.reshape(1, -1), W2)
    p = _agg64(ht2, src_r, dst_r, zeros64)
    ht3 = _mid_call(p[0], p[1], ht2, dinv, b2.reshape(1, -1), W3)
    p = _agg64(ht3, src_r, dst_r, zeros64)
    return _post_call(p[0], p[1], ht3, dinv, b3.reshape(1, -1), batch3d)

# --- scband reference (transcript-rebuilt; emitter-appended) ---
"""Pipeline reference for scband-gcn-45672682226339 (READ-ONLY COPY).

The authoritative reference and input builder live on the scoring server;
editing this copy changes nothing except your own understanding.
"""

import jax, jax.numpy as jnp
import numpy as np

N_NODES = 10000
N_EDGES = 320000
D_FEAT = 128
HIDDEN = 128
HIDDEN2 = 64
OUT = 64
N_GRAPHS = 128


def setup_inputs(seed: int = 0) -> dict:
    key = jax.random.key(seed)
    ks = jax.random.split(key, 10)
    x = jax.random.normal(ks[0], (N_NODES, D_FEAT), dtype=jnp.float32)
    edge_index = jax.random.randint(ks[1], (2, N_EDGES), 0, N_NODES)
    batch = jnp.sort(jax.random.randint(ks[2], (N_NODES,), 0, N_GRAPHS))
    W1 = jax.random.normal(ks[3], (D_FEAT, HIDDEN), dtype=jnp.float32) * 0.05
    b1 = jnp.zeros((HIDDEN,), dtype=jnp.float32)
    W2 = jax.random.normal(ks[4], (HIDDEN, HIDDEN2), dtype=jnp.float32) * 0.05
    b2 = jnp.zeros((HIDDEN2,), dtype=jnp.float32)
    W3 = jax.random.normal(ks[5], (HIDDEN2, OUT), dtype=jnp.float32) * 0.05
    b3 = jnp.zeros((OUT,), dtype=jnp.float32)
    return {"x": x, "edge_index": edge_index, "batch": batch,
            "W1": W1, "b1": b1, "W2": W2, "b2": b2, "W3": W3, "b3": b3}


def _gcn_conv(x, edge_index, W, b):
    # Faithful PyG GCNConv: add self-loops, symmetric deg normalization,
    # linear transform, gather from src, scatter-add to dst, add bias.
    N = x.shape[0]
    loop = jnp.arange(N, dtype=edge_index.dtype)
    src = jnp.concatenate([edge_index[0], loop])
    dst = jnp.concatenate([edge_index[1], loop])
    deg = jax.ops.segment_sum(jnp.ones_like(src, dtype=x.dtype), dst, num_segments=N)
    deg_inv_sqrt = jnp.where(deg > 0, jax.lax.rsqrt(jnp.maximum(deg, 1e-12)), 0.0)
    norm = deg_inv_sqrt[src] * deg_inv_sqrt[dst]
    h = x @ W
    msg = h[src] * norm[:, None]
    agg = jax.ops.segment_sum(msg, dst, num_segments=N)
    return agg + b


def _global_mean_pool(x, batch, num_graphs):
    sums = jax.ops.segment_sum(x, batch, num_segments=num_graphs)
    counts = jax.ops.segment_sum(jnp.ones((x.shape[0],), dtype=x.dtype), batch, num_segments=num_graphs)
    return sums / jnp.clip(counts, 1.0)[:, None]


def reference(x, edge_index, batch, W1, b1, W2, b2, W3, b3):
    h = jax.nn.relu(_gcn_conv(x, edge_index, W1, b1))
    h = jax.nn.relu(_gcn_conv(h, edge_index, W2, b2))
    h = jax.nn.relu(_gcn_conv(h, edge_index, W3, b3))
    return _global_mean_pool(h, batch, N_GRAPHS)

if __name__ == "__main__":
    import jax
    _d = setup_inputs()
    print(jax.jit(kernel)(*tuple(_d.values())))

</pallas_src>

<mosaic_0001>
#map = affine_map<(d0, d1) -> (0, 0)>
#map1 = affine_map<(d0, d1) -> (0, 0, 0, 0)>
#map2 = affine_map<(d0, d1) -> (0, 0, 0)>
module attributes {stable_mosaic.version = 14 : i64} {
  func.func @body(%arg0: i32, %arg1: i32, %arg2: memref<10240x128xf32, #tpu.memory_space<hbm>>, %arg3: memref<2x16x79x128xi32, #tpu.memory_space<hbm>>, %arg4: memref<2x16x79x128xi32, #tpu.memory_space<hbm>>, %arg5: memref<10240x128xf32, #tpu.memory_space<hbm>>, %arg6: memref<2x10240x128xf32, #tpu.memory_space<hbm>>, %arg7: memref<79x128xi32, #tpu.memory_space<vmem>>, %arg8: memref<79x128xi32, #tpu.memory_space<vmem>>, %arg9: memref<128x128xf32, #tpu.memory_space<vmem>>, %arg10: memref<10240x128xf32, #tpu.memory_space<vmem_shared>>, %arg11: memref<!tpu.dma_semaphore, #tpu.memory_space<semaphore_mem>>) attributes {dimension_semantics = [#tpu.dimension_semantics<core_parallel>, #tpu.dimension_semantics<subcore_parallel>], iteration_bounds = array<i64: 2, 16>, scalar_prefetch = 0 : i64, scratch_operands = 5 : i64, tpu.core_type = #tpu.core_type<sc_vector_subcore>, window_params = [{transform_indices = #map}, {transform_indices = #map1}, {transform_indices = #map1}, {transform_indices = #map}, {transform_indices = #map2}]} {
    "tpu.region"() ({
      %run_scoped3A = tpu.sem_alloc : memref<!tpu.dma_semaphore, #tpu.memory_space<semaphore_mem>>
      %dma_start3A = arith.constant 0 : i32
      %dma_start3A_13 = arith.constant 0 : i32
      %dma_start3A_14 = tpu.memref_slice %arg3[%arg0, %arg1, %dma_start3A, %dma_start3A_13] : memref<2x16x79x128xi32, #tpu.memory_space<hbm>> -> memref<1x1x79x128xi32, #tpu.memory_space<hbm>>
      %dma_start3A_15 = tpu.memref_squeeze %dma_start3A_14 : memref<1x1x79x128xi32, #tpu.memory_space<hbm>> -> memref<79x128xi32, #tpu.memory_space<hbm>>
      %dma_start3A_16 = arith.constant 0 : i32
      %dma_start3A_17 = arith.constant 0 : i32
      %dma_start3A_18 = tpu.memref_slice %arg3[%arg0, %arg1, %dma_start3A_16, %dma_start3A_17] : memref<2x16x79x128xi32, #tpu.memory_space<hbm>> -> memref<1x1x79x128xi32, #tpu.memory_space<hbm>>
      %dma_start3A_19 = tpu.memref_squeeze %dma_start3A_18 : memref<1x1x79x128xi32, #tpu.memory_space<hbm>> -> memref<79x128xi32, #tpu.memory_space<hbm>>
      tpu.enqueue_dma source(%dma_start3A_19 : memref<79x128xi32, #tpu.memory_space<hbm>>) target(%arg7 : memref<79x128xi32, #tpu.memory_space<vmem>>) target_semaphore(%run_scoped3A : memref<!tpu.dma_semaphore, #tpu.memory_space<semaphore_mem>>)
      %dma_wait3A = arith.constant 0 : i32
      %dma_wait3A_20 = arith.constant 0 : i32
      %dma_wait3A_21 = tpu.memref_slice %arg3[%arg0, %arg1, %dma_wait3A, %dma_wait3A_20] : memref<2x16x79x128xi32, #tpu.memory_space<hbm>> -> memref<1x1x79x128xi32, #tpu.memory_space<hbm>>
      %dma_wait3A_22 = tpu.memref_squeeze %dma_wait3A_21 : memref<1x1x79x128xi32, #tpu.memory_space<hbm>> -> memref<79x128xi32, #tpu.memory_space<hbm>>
      %dma_wait3A_23 = arith.constant 0 : i32
      %dma_wait3A_24 = arith.constant 0 : i32
      %dma_wait3A_25 = tpu.memref_slice %arg3[%arg0, %arg1, %dma_wait3A_23, %dma_wait3A_24] : memref<2x16x79x128xi32, #tpu.memory_space<hbm>> -> memref<1x1x79x128xi32, #tpu.memory_space<hbm>>
      %dma_wait3A_26 = tpu.memref_squeeze %dma_wait3A_25 : memref<1x1x79x128xi32, #tpu.memory_space<hbm>> -> memref<79x128xi32, #tpu.memory_space<hbm>>
      tpu.wait_dma2 semaphore(%run_scoped3A : memref<!tpu.dma_semaphore, #tpu.memory_space<semaphore_mem>>) src(%dma_wait3A_26 : memref<79x128xi32, #tpu.memory_space<hbm>>) dst(%arg7 : memref<79x128xi32, #tpu.memory_space<vmem>>)
      tpu.yield
    }) : () -> ()
    "tpu.region"() ({
      %run_scoped3A = tpu.sem_alloc : memref<!tpu.dma_semaphore, #tpu.memory_space<semaphore_mem>>
      %dma_start3A = arith.constant 0 : i32
      %dma_start3A_13 = arith.constant 0 : i32
      %dma_start3A_14 = tpu.memref_slice %arg4[%arg0, %arg1, %dma_start3A, %dma_start3A_13] : memref<2x16x79x128xi32, #tpu.memory_space<hbm>> -> memref<1x1x79x128xi32, #tpu.memory_space<hbm>>
      %dma_start3A_15 = tpu.memref_squeeze %dma_start3A_14 : memref<1x1x79x128xi32, #tpu.memory_space<hbm>> -> memref<79x128xi32, #tpu.memory_space<hbm>>
      %dma_start3A_16 = arith.constant 0 : i32
      %dma_start3A_17 = arith.constant 0 : i32
      %dma_start3A_18 = tpu.memref_slice %arg4[%arg0, %arg1, %dma_start3A_16, %dma_start3A_17] : memref<2x16x79x128xi32, #tpu.memory_space<hbm>> -> memref<1x1x79x128xi32, #tpu.memory_space<hbm>>
      %dma_start3A_19 = tpu.memref_squeeze %dma_start3A_18 : memref<1x1x79x128xi32, #tpu.memory_space<hbm>> -> memref<79x128xi32, #tpu.memory_space<hbm>>
      tpu.enqueue_dma source(%dma_start3A_19 : memref<79x128xi32, #tpu.memory_space<hbm>>) target(%arg8 : memref<79x128xi32, #tpu.memory_space<vmem>>) target_semaphore(%run_scoped3A : memref<!tpu.dma_semaphore, #tpu.memory_space<semaphore_mem>>)
      %dma_wait3A = arith.constant 0 : i32
      %dma_wait3A_20 = arith.constant 0 : i32
      %dma_wait3A_21 = tpu.memref_slice %arg4[%arg0, %arg1, %dma_wait3A, %dma_wait3A_20] : memref<2x16x79x128xi32, #tpu.memory_space<hbm>> -> memref<1x1x79x128xi32, #tpu.memory_space<hbm>>
      %dma_wait3A_22 = tpu.memref_squeeze %dma_wait3A_21 : memref<1x1x79x128xi32, #tpu.memory_space<hbm>> -> memref<79x128xi32, #tpu.memory_space<hbm>>
      %dma_wait3A_23 = arith.constant 0 : i32
      %dma_wait3A_24 = arith.constant 0 : i32
      %dma_wait3A_25 = tpu.memref_slice %arg4[%arg0, %arg1, %dma_wait3A_23, %dma_wait3A_24] : memref<2x16x79x128xi32, #tpu.memory_space<hbm>> -> memref<1x1x79x128xi32, #tpu.memory_space<hbm>>
      %dma_wait3A_26 = tpu.memref_squeeze %dma_wait3A_25 : memref<1x1x79x128xi32, #tpu.memory_space<hbm>> -> memref<79x128xi32, #tpu.memory_space<hbm>>
      tpu.wait_dma2 semaphore(%run_scoped3A : memref<!tpu.dma_semaphore, #tpu.memory_space<semaphore_mem>>) src(%dma_wait3A_26 : memref<79x128xi32, #tpu.memory_space<hbm>>) dst(%arg8 : memref<79x128xi32, #tpu.memory_space<vmem>>)
      tpu.yield
    }) : () -> ()
    %mul3A = arith.constant 640 : i32
    %mul3A_0 = arith.muli %arg1, %mul3A : i32
    %mul3A_1 = arith.constant 640 : i32
    %mul3A_2 = arith.muli %arg1, %mul3A_1 : i32
    "tpu.region"() ({
      %run_scoped3A = tpu.sem_alloc : memref<!tpu.dma_semaphore, #tpu.memory_space<semaphore_mem>>
      %dma_start3A = arith.constant 0 : i32
      %dma_start3A_13 = tpu.memref_slice %arg10[%mul3A_2, %dma_start3A] : memref<10240x128xf32, #tpu.memory_space<vmem_shared>> -> memref<640x128xf32, #tpu.memory_space<vmem_shared>>
      %dma_start3A_14 = arith.constant 0 : i32
      %dma_start3A_15 = tpu.memref_slice %arg5[%mul3A_0, %dma_start3A_14] : memref<10240x128xf32, #tpu.memory_space<hbm>> -> memref<640x128xf32, #tpu.memory_space<hbm>>
      tpu.enqueue_dma source(%dma_start3A_15 : memref<640x128xf32, #tpu.memory_space<hbm>>) target(%dma_start3A_13 : memref<640x128xf32, #tpu.memory_space<vmem_shared>>) target_semaphore(%run_scoped3A : memref<!tpu.dma_semaphore, #tpu.memory_space<semaphore_mem>>)
      %dma_wait3A = arith.constant 0 : i32
      %dma_wait3A_16 = tpu.memref_slice %arg10[%mul3A_2, %dma_wait3A] : memref<10240x128xf32, #tpu.memory_space<vmem_shared>> -> memref<640x128xf32, #tpu.memory_space<vmem_shared>>
      %dma_wait3A_17 = arith.constant 0 : i32
      %dma_wait3A_18 = tpu.memref_slice %arg5[%mul3A_0, %dma_wait3A_17] : memref<10240x128xf32, #tpu.memory_space<hbm>> -> memref<640x128xf32, #tpu.memory_space<hbm>>
      tpu.wait_dma2 semaphore(%run_scoped3A : memref<!tpu.dma_semaphore, #tpu.memory_space<semaphore_mem>>) src(%dma_wait3A_18 : memref<640x128xf32, #tpu.memory_space<hbm>>) dst(%dma_wait3A_16 : memref<640x128xf32, #tpu.memory_space<vmem_shared>>)
      tpu.yield
    }) : () -> ()
    %barrier3A = arith.constant 0 : index
    tpu.barrier barrier_id(%barrier3A)
    %scan3A = arith.constant 0 : i32
    %scan3A_3 = arith.constant 0 : i32
    %scan3A_4 = arith.constant 79 : i32
    %scan3A_5 = arith.addi %scan3A_3, %scan3A_4 : i32
    %scan3A_6 = arith.constant 1 : i32
    scf.for %scan3A_13 = %scan3A_3 to %scan3A_5 step %scan3A_6  : i32 {
      %dma_start3A = arith.constant 0 : i32
      %dma_start3A_14 = tpu.memref_slice %arg7[%scan3A_13, %dma_start3A] : memref<79x128xi32, #tpu.memory_space<vmem>> -> memref<1x128xi32, #tpu.memory_space<vmem>>
      %dma_start3A_15 = tpu.memref_squeeze %dma_start3A_14 : memref<1x128xi32, #tpu.memory_space<vmem>> -> memref<128xi32, #tpu.memory_space<vmem>>
      %dma_start3A_16 = arith.constant 0 : i32
      %dma_start3A_17 = arith.constant 0 : i32
      %dma_start3A_18 = tpu.memref_slice %arg2[%dma_start3A_16, %dma_start3A_17] : memref<10240x128xf32, #tpu.memory_space<hbm>> -> memref<10240x128xf32, #tpu.memory_space<hbm>>
      tpu.enqueue_indirect_dma source(%dma_start3A_18 : memref<10240x128xf32, #tpu.memory_space<hbm>>) target(%arg9 : memref<128x128xf32, #tpu.memory_space<vmem>>) offsets(%dma_start3A_15 : memref<128xi32, #tpu.memory_space<vmem>>) semaphore(%arg11 : memref<!tpu.dma_semaphore, #tpu.memory_space<semaphore_mem>>)
      %dma_wait3A = arith.constant 0 : i32
      %dma_wait3A_19 = tpu.memref_slice %arg7[%scan3A_13, %dma_wait3A] : memref<79x128xi32, #tpu.memory_space<vmem>> -> memref<1x128xi32, #tpu.memory_space<vmem>>
      %dma_wait3A_20 = tpu.memref_squeeze %dma_wait3A_19 : memref<1x128xi32, #tpu.memory_space<vmem>> -> memref<128xi32, #tpu.memory_space<vmem>>
      %dma_wait3A_21 = arith.constant 0 : i32
      %dma_wait3A_22 = arith.constant 0 : i32
      %dma_wait3A_23 = tpu.memref_slice %arg2[%dma_wait3A_21, %dma_wait3A_22] : memref<10240x128xf32, #tpu.memory_space<hbm>> -> memref<10240x128xf32, #tpu.memory_space<hbm>>
      tpu.wait_indirect_dma semaphore(%arg11 : memref<!tpu.dma_semaphore, #tpu.memory_space<semaphore_mem>>) src(%dma_wait3A_23 : memref<10240x128xf32, #tpu.memory_space<hbm>>) dst(%arg9 : memref<128x128xf32, #tpu.memory_space<vmem>>)
      "tpu.region"() ({
        %run_scoped3A = tpu.sem_alloc : memref<!tpu.dma_semaphore, #tpu.memory_space<semaphore_mem>>
        %dma_start3A_24 = arith.constant 0 : i32
        %dma_start3A_25 = tpu.memref_slice %arg8[%scan3A_13, %dma_start3A_24] : memref<79x128xi32, #tpu.memory_space<vmem>> -> memref<1x128xi32, #tpu.memory_space<vmem>>
        %dma_start3A_26 = tpu.memref_squeeze %dma_start3A_25 : memref<1x128xi32, #tpu.memory_space<vmem>> -> memref<128xi32, #tpu.memory_space<vmem>>
        %dma_start3A_27 = arith.constant 0 : i32
        %dma_start3A_28 = arith.constant 0 : i32
        %dma_start3A_29 = tpu.memref_slice %arg10[%dma_start3A_27, %dma_start3A_28] : memref<10240x128xf32, #tpu.memory_space<vmem_shared>> -> memref<10240x128xf32, #tpu.memory_space<vmem_shared>>
        tpu.enqueue_indirect_dma source(%arg9 : memref<128x128xf32, #tpu.memory_space<vmem>>) target(%dma_start3A_29 : memref<10240x128xf32, #tpu.memory_space<vmem_shared>>) offsets(%dma_start3A_26 : memref<128xi32, #tpu.memory_space<vmem>>) semaphore(%run_scoped3A : memref<!tpu.dma_semaphore, #tpu.memory_space<semaphore_mem>>) {add = true}
        %dma_wait3A_30 = arith.constant 0 : i32
        %dma_wait3A_31 = tpu.memref_slice %arg8[%scan3A_13, %dma_wait3A_30] : memref<79x128xi32, #tpu.memory_space<vmem>> -> memref<1x128xi32, #tpu.memory_space<vmem>>
        %dma_wait3A_32 = tpu.memref_squeeze %dma_wait3A_31 : memref<1x128xi32, #tpu.memory_space<vmem>> -> memref<128xi32, #tpu.memory_space<vmem>>
        %dma_wait3A_33 = arith.constant 0 : i32
        %dma_wait3A_34 = arith.constant 0 : i32
        %dma_wait3A_35 = tpu.memref_slice %arg10[%dma_wait3A_33, %dma_wait3A_34] : memref<10240x128xf32, #tpu.memory_space<vmem_shared>> -> memref<10240x128xf32, #tpu.memory_space<vmem_shared>>
        tpu.wait_indirect_dma semaphore(%run_scoped3A : memref<!tpu.dma_semaphore, #tpu.memory_space<semaphore_mem>>) src(%arg9 : memref<128x128xf32, #tpu.memory_space<vmem>>) dst(%dma_wait3A_35 : memref<10240x128xf32, #tpu.memory_space<vmem_shared>>)
        tpu.yield
      }) : () -> ()
    }
    %scan3A_7 = arith.constant 79 : i32
    %barrier3A_8 = arith.constant 0 : index
    tpu.barrier barrier_id(%barrier3A_8)
    %mul3A_9 = arith.constant 640 : i32
    %mul3A_10 = arith.muli %arg1, %mul3A_9 : i32
    %mul3A_11 = arith.constant 640 : i32
    %mul3A_12 = arith.muli %arg1, %mul3A_11 : i32
    "tpu.region"() ({
      %run_scoped3A = tpu.sem_alloc : memref<!tpu.dma_semaphore, #tpu.memory_space<semaphore_mem>>
      %dma_start3A = arith.constant 0 : i32
      %dma_start3A_13 = tpu.memref_slice %arg6[%arg0, %mul3A_12, %dma_start3A] : memref<2x10240x128xf32, #tpu.memory_space<hbm>> -> memref<1x640x128xf32, #tpu.memory_space<hbm>>
      %dma_start3A_14 = tpu.memref_squeeze %dma_start3A_13 : memref<1x640x128xf32, #tpu.memory_space<hbm>> -> memref<640x128xf32, #tpu.memory_space<hbm>>
      %dma_start3A_15 = arith.constant 0 : i32
      %dma_start3A_16 = tpu.memref_slice %arg10[%mul3A_10, %dma_start3A_15] : memref<10240x128xf32, #tpu.memory_space<vmem_shared>> -> memref<640x128xf32, #tpu.memory_space<vmem_shared>>
      tpu.enqueue_dma source(%dma_start3A_16 : memref<640x128xf32, #tpu.memory_space<vmem_shared>>) target(%dma_start3A_14 : memref<640x128xf32, #tpu.memory_space<hbm>>) target_semaphore(%run_scoped3A : memref<!tpu.dma_semaphore, #tpu.memory_space<semaphore_mem>>)
      %dma_wait3A = arith.constant 0 : i32
      %dma_wait3A_17 = tpu.memref_slice %arg6[%arg0, %mul3A_12, %dma_wait3A] : memref<2x10240x128xf32, #tpu.memory_space<hbm>> -> memref<1x640x128xf32, #tpu.memory_space<hbm>>
      %dma_wait3A_18 = tpu.memref_squeeze %dma_wait3A_17 : memref<1x640x128xf32, #tpu.memory_space<hbm>> -> memref<640x128xf32, #tpu.memory_space<hbm>>
      %dma_wait3A_19 = arith.constant 0 : i32
      %dma_wait3A_20 = tpu.memref_slice %arg10[%mul3A_10, %dma_wait3A_19] : memref<10240x128xf32, #tpu.memory_space<vmem_shared>> -> memref<640x128xf32, #tpu.memory_space<vmem_shared>>
      tpu.wait_dma2 semaphore(%run_scoped3A : memref<!tpu.dma_semaphore, #tpu.memory_space<semaphore_mem>>) src(%dma_wait3A_20 : memref<640x128xf32, #tpu.memory_space<vmem_shared>>) dst(%dma_wait3A_18 : memref<640x128xf32, #tpu.memory_space<hbm>>)
      tpu.yield
    }) : () -> ()
    return
  }
}

#map = affine_map<(d0, d1) -> (0, 0, 0, 0)>
#map1 = affine_map<(d0, d1) -> (0, 0)>
#map2 = affine_map<(d0, d1) -> (0, 0, 0)>
module attributes {stable_mosaic.version = 14 : i64} {
  func.func @_deg_body(%arg0: i32, %arg1: i32, %arg2: memref<2x16x79x128xi32, #tpu.memory_space<hbm>>, %arg3: memref<10240x16xf32, #tpu.memory_space<hbm>>, %arg4: memref<2x10240x16xf32, #tpu.memory_space<hbm>>, %arg5: memref<79x128xi32, #tpu.memory_space<vmem>>, %arg6: memref<128x16xf32, #tpu.memory_space<vmem>>, %arg7: memref<10240x16xf32, #tpu.memory_space<vmem_shared>>, %arg8: memref<!tpu.dma_semaphore, #tpu.memory_space<semaphore_mem>>) attributes {dimension_semantics = [#tpu.dimension_semantics<core_parallel>, #tpu.dimension_semantics<subcore_parallel>], iteration_bounds = array<i64: 2, 16>, scalar_prefetch = 0 : i64, scratch_operands = 4 : i64, tpu.core_type = #tpu.core_type<sc_vector_subcore>, window_params = [{transform_indices = #map}, {transform_indices = #map1}, {transform_indices = #map2}]} {
    "tpu.region"() ({
      %run_scoped3A = tpu.sem_alloc : memref<!tpu.dma_semaphore, #tpu.memory_space<semaphore_mem>>
      %dma_start3A = arith.constant 0 : i32
      %dma_start3A_19 = arith.constant 0 : i32
      %dma_start3A_20 = tpu.memref_slice %arg2[%arg0, %arg1, %dma_start3A, %dma_start3A_19] : memref<2x16x79x128xi32, #tpu.memory_space<hbm>> -> memref<1x1x79x128xi32, #tpu.memory_space<hbm>>
      %dma_start3A_21 = tpu.memref_squeeze %dma_start3A_20 : memref<1x1x79x128xi32, #tpu.memory_space<hbm>> -> memref<79x128xi32, #tpu.memory_space<hbm>>
      %dma_start3A_22 = arith.constant 0 : i32
      %dma_start3A_23 = arith.constant 0 : i32
      %dma_start3A_24 = tpu.memref_slice %arg2[%arg0, %arg1, %dma_start3A_22, %dma_start3A_23] : memref<2x16x79x128xi32, #tpu.memory_space<hbm>> -> memref<1x1x79x128xi32, #tpu.memory_space<hbm>>
      %dma_start3A_25 = tpu.memref_squeeze %dma_start3A_24 : memref<1x1x79x128xi32, #tpu.memory_space<hbm>> -> memref<79x128xi32, #tpu.memory_space<hbm>>
      tpu.enqueue_dma source(%dma_start3A_25 : memref<79x128xi32, #tpu.memory_space<hbm>>) target(%arg5 : memref<79x128xi32, #tpu.memory_space<vmem>>) target_semaphore(%run_scoped3A : memref<!tpu.dma_semaphore, #tpu.memory_space<semaphore_mem>>)
      %dma_wait3A = arith.constant 0 : i32
      %dma_wait3A_26 = arith.constant 0 : i32
      %dma_wait3A_27 = tpu.memref_slice %arg2[%arg0, %arg1, %dma_wait3A, %dma_wait3A_26] : memref<2x16x79x128xi32, #tpu.memory_space<hbm>> -> memref<1x1x79x128xi32, #tpu.memory_space<hbm>>
      %dma_wait3A_28 = tpu.memref_squeeze %dma_wait3A_27 : memref<1x1x79x128xi32, #tpu.memory_space<hbm>> -> memref<79x128xi32, #tpu.memory_space<hbm>>
      %dma_wait3A_29 = arith.constant 0 : i32
      %dma_wait3A_30 = arith.constant 0 : i32
      %dma_wait3A_31 = tpu.memref_slice %arg2[%arg0, %arg1, %dma_wait3A_29, %dma_wait3A_30] : memref<2x16x79x128xi32, #tpu.memory_space<hbm>> -> memref<1x1x79x128xi32, #tpu.memory_space<hbm>>
      %dma_wait3A_32 = tpu.memref_squeeze %dma_wait3A_31 : memref<1x1x79x128xi32, #tpu.memory_space<hbm>> -> memref<79x128xi32, #tpu.memory_space<hbm>>
      tpu.wait_dma2 semaphore(%run_scoped3A : memref<!tpu.dma_semaphore, #tpu.memory_space<semaphore_mem>>) src(%dma_wait3A_32 : memref<79x128xi32, #tpu.memory_space<hbm>>) dst(%arg5 : memref<79x128xi32, #tpu.memory_space<vmem>>)
      tpu.yield
    }) : () -> ()
    %scan3A = arith.constant 0 : i32
    %scan3A_0 = arith.constant 0 : i32
    %scan3A_1 = arith.constant 128 : i32
    %scan3A_2 = arith.addi %scan3A_0, %scan3A_1 : i32
    %scan3A_3 = arith.constant 1 : i32
    scf.for %scan3A_19 = %scan3A_0 to %scan3A_2 step %scan3A_3  : i32 {
      %broadcast_in_dim3A = arith.constant 1.000000e+00 : f32
      %broadcast_in_dim3A_20 = vector.broadcast %broadcast_in_dim3A : f32 to vector<16xf32>
      %swap3A = arith.index_cast %scan3A_19 : i32 to index
      %swap3A_21 = arith.constant 0 : index
      %swap3A_22 = tpu.vector_load %arg6[%swap3A, %swap3A_21] {strides = array<i32>} : memref<128x16xf32, #tpu.memory_space<vmem>>, vector<1x16xf32>,
      %swap3A_23 = vector.shape_cast %swap3A_22 : vector<1x16xf32> to vector<16xf32>
      %swap3A_24 = vector.shape_cast %broadcast_in_dim3A_20 : vector<16xf32> to vector<1x16xf32>
      tpu.vector_store %arg6[%swap3A, %swap3A_21], %swap3A_24 {strides = array<i32>} : memref<128x16xf32, #tpu.memory_space<vmem>>, vector<1x16xf32>,
    }
    %scan3A_4 = arith.constant 128 : i32
    %mul3A = arith.constant 640 : i32
    %mul3A_5 = arith.muli %arg1, %mul3A : i32
    %mul3A_6 = arith.constant 640 : i32
    %mul3A_7 = arith.muli %arg1, %mul3A_6 : i32
    "tpu.region"() ({
      %run_scoped3A = tpu.sem_alloc : memref<!tpu.dma_semaphore, #tpu.memory_space<semaphore_mem>>
      %dma_start3A = arith.constant 0 : i32
      %dma_start3A_19 = tpu.memref_slice %arg7[%mul3A_7, %dma_start3A] : memref<10240x16xf32, #tpu.memory_space<vmem_shared>> -> memref<640x16xf32, #tpu.memory_space<vmem_shared>>
      %dma_start3A_20 = arith.constant 0 : i32
      %dma_start3A_21 = tpu.memref_slice %arg3[%mul3A_5, %dma_start3A_20] : memref<10240x16xf32, #tpu.memory_space<hbm>> -> memref<640x16xf32, #tpu.memory_space<hbm>>
      tpu.enqueue_dma source(%dma_start3A_21 : memref<640x16xf32, #tpu.memory_space<hbm>>) target(%dma_start3A_19 : memref<640x16xf32, #tpu.memory_space<vmem_shared>>) target_semaphore(%run_scoped3A : memref<!tpu.dma_semaphore, #tpu.memory_space<semaphore_mem>>)
      %dma_wait3A = arith.constant 0 : i32
      %dma_wait3A_22 = tpu.memref_slice %arg7[%mul3A_7, %dma_wait3A] : memref<10240x16xf32, #tpu.memory_space<vmem_shared>> -> memref<640x16xf32, #tpu.memory_space<vmem_shared>>
      %dma_wait3A_23 = arith.constant 0 : i32
      %dma_wait3A_24 = tpu.memref_slice %arg3[%mul3A_5, %dma_wait3A_23] : memref<10240x16xf32, #tpu.memory_space<hbm>> -> memref<640x16xf32, #tpu.memory_space<hbm>>
      tpu.wait_dma2 semaphore(%run_scoped3A : memref<!tpu.dma_semaphore, #tpu.memory_space<semaphore_mem>>) src(%dma_wait3A_24 : memref<640x16xf32, #tpu.memory_space<hbm>>) dst(%dma_wait3A_22 : memref<640x16xf32, #tpu.memory_space<vmem_shared>>)
      tpu.yield
    }) : () -> ()
    %barrier3A = arith.constant 0 : index
    tpu.barrier barrier_id(%barrier3A)
    %scan3A_8 = arith.constant 0 : i32
    %scan3A_9 = arith.constant 0 : i32
    %scan3A_10 = arith.constant 79 : i32
    %scan3A_11 = arith.addi %scan3A_9, %scan3A_10 : i32
    %scan3A_12 = arith.constant 1 : i32
    scf.for %scan3A_19 = %scan3A_9 to %scan3A_11 step %scan3A_12  : i32 {
      "tpu.region"() ({
        %run_scoped3A = tpu.sem_alloc : memref<!tpu.dma_semaphore, #tpu.memory_space<semaphore_mem>>
        %dma_start3A = arith.constant 0 : i32
        %dma_start3A_20 = tpu.memref_slice %arg5[%scan3A_19, %dma_start3A] : memref<79x128xi32, #tpu.memory_space<vmem>> -> memref<1x128xi32, #tpu.memory_space<vmem>>
        %dma_start3A_21 = tpu.memref_squeeze %dma_start3A_20 : memref<1x128xi32, #tpu.memory_space<vmem>> -> memref<128xi32, #tpu.memory_space<vmem>>
        %dma_start3A_22 = arith.constant 0 : i32
        %dma_start3A_23 = arith.constant 0 : i32
        %dma_start3A_24 = tpu.memref_slice %arg7[%dma_start3A_22, %dma_start3A_23] : memref<10240x16xf32, #tpu.memory_space<vmem_shared>> -> memref<10240x16xf32, #tpu.memory_space<vmem_shared>>
        tpu.enqueue_indirect_dma source(%arg6 : memref<128x16xf32, #tpu.memory_space<vmem>>) target(%dma_start3A_24 : memref<10240x16xf32, #tpu.memory_space<vmem_shared>>) offsets(%dma_start3A_21 : memref<128xi32, #tpu.memory_space<vmem>>) semaphore(%run_scoped3A : memref<!tpu.dma_semaphore, #tpu.memory_space<semaphore_mem>>) {add = true}
        %dma_wait3A = arith.constant 0 : i32
        %dma_wait3A_25 = tpu.memref_slice %arg5[%scan3A_19, %dma_wait3A] : memref<79x128xi32, #tpu.memory_space<vmem>> -> memref<1x128xi32, #tpu.memory_space<vmem>>
        %dma_wait3A_26 = tpu.memref_squeeze %dma_wait3A_25 : memref<1x128xi32, #tpu.memory_space<vmem>> -> memref<128xi32, #tpu.memory_space<vmem>>
        %dma_wait3A_27 = arith.constant 0 : i32
        %dma_wait3A_28 = arith.constant 0 : i32
        %dma_wait3A_29 = tpu.memref_slice %arg7[%dma_wait3A_27, %dma_wait3A_28] : memref<10240x16xf32, #tpu.memory_space<vmem_shared>> -> memref<10240x16xf32, #tpu.memory_space<vmem_shared>>
        tpu.wait_indirect_dma semaphore(%run_scoped3A : memref<!tpu.dma_semaphore, #tpu.memory_space<semaphore_mem>>) src(%arg6 : memref<128x16xf32, #tpu.memory_space<vmem>>) dst(%dma_wait3A_29 : memref<10240x16xf32, #tpu.memory_space<vmem_shared>>)
        tpu.yield
      }) : () -> ()
    }
    %scan3A_13 = arith.constant 79 : i32
    %barrier3A_14 = arith.constant 0 : index
    tpu.barrier barrier_id(%barrier3A_14)
    %mul3A_15 = arith.constant 640 : i32
    %mul3A_16 = arith.muli %arg1, %mul3A_15 : i32
    %mul3A_17 = arith.constant 640 : i32
    %mul3A_18 = arith.muli %arg1, %mul3A_17 : i32
    "tpu.region"() ({
      %run_scoped3A = tpu.sem_alloc : memref<!tpu.dma_semaphore, #tpu.memory_space<semaphore_mem>>
      %dma_start3A = arith.constant 0 : i32
      %dma_start3A_19 = tpu.memref_slice %arg4[%arg0, %mul3A_18, %dma_start3A] : memref<2x10240x16xf32, #tpu.memory_space<hbm>> -> memref<1x640x16xf32, #tpu.memory_space<hbm>>
      %dma_start3A_20 = tpu.memref_squeeze %dma_start3A_19 : memref<1x640x16xf32, #tpu.memory_space<hbm>> -> memref<640x16xf32, #tpu.memory_space<hbm>>
      %dma_start3A_21 = arith.constant 0 : i32
      %dma_start3A_22 = tpu.memref_slice %arg7[%mul3A_16, %dma_start3A_21] : memref<10240x16xf32, #tpu.memory_space<vmem_shared>> -> memref<640x16xf32, #tpu.memory_space<vmem_shared>>
      tpu.enqueue_dma source(%dma_start3A_22 : memref<640x16xf32, #tpu.memory_space<vmem_shared>>) target(%dma_start3A_20 : memref<640x16xf32, #tpu.memory_space<hbm>>) target_semaphore(%run_scoped3A : memref<!tpu.dma_semaphore, #tpu.memory_space<semaphore_mem>>)
      %dma_wait3A = arith.constant 0 : i32
      %dma_wait3A_23 = tpu.memref_slice %arg4[%arg0, %mul3A_18, %dma_wait3A] : memref<2x10240x16xf32, #tpu.memory_space<hbm>> -> memref<1x640x16xf32, #tpu.memory_space<hbm>>
      %dma_wait3A_24 = tpu.memref_squeeze %dma_wait3A_23 : memref<1x640x16xf32, #tpu.memory_space<hbm>> -> memref<640x16xf32, #tpu.memory_space<hbm>>
      %dma_wait3A_25 = arith.constant 0 : i32
      %dma_wait3A_26 = tpu.memref_slice %arg7[%mul3A_16, %dma_wait3A_25] : memref<10240x16xf32, #tpu.memory_space<vmem_shared>> -> memref<640x16xf32, #tpu.memory_space<vmem_shared>>
      tpu.wait_dma2 semaphore(%run_scoped3A : memref<!tpu.dma_semaphore, #tpu.memory_space<semaphore_mem>>) src(%dma_wait3A_26 : memref<640x16xf32, #tpu.memory_space<vmem_shared>>) dst(%dma_wait3A_24 : memref<640x16xf32, #tpu.memory_space<hbm>>)
      tpu.yield
    }) : () -> ()
    return
  }
}

#map = affine_map<(d0, d1) -> (0, 0)>
#map1 = affine_map<(d0, d1) -> (0, 0, 0, 0)>
#map2 = affine_map<(d0, d1) -> (0, 0, 0)>
module attributes {stable_mosaic.version = 14 : i64} {
  func.func @body(%arg0: i32, %arg1: i32, %arg2: memref<10240x64xf32, #tpu.memory_space<hbm>>, %arg3: memref<2x16x79x128xi32, #tpu.memory_space<hbm>>, %arg4: memref<2x16x79x128xi32, #tpu.memory_space<hbm>>, %arg5: memref<10240x64xf32, #tpu.memory_space<hbm>>, %arg6: memref<2x10240x64xf32, #tpu.memory_space<hbm>>, %arg7: memref<79x128xi32, #tpu.memory_space<vmem>>, %arg8: memref<79x128xi32, #tpu.memory_space<vmem>>, %arg9: memref<128x64xf32, #tpu.memory_space<vmem>>, %arg10: memref<10240x64xf32, #tpu.memory_space<vmem_shared>>, %arg11: memref<!tpu.dma_semaphore, #tpu.memory_space<semaphore_mem>>) attributes {dimension_semantics = [#tpu.dimension_semantics<core_parallel>, #tpu.dimension_semantics<subcore_parallel>], iteration_bounds = array<i64: 2, 16>, scalar_prefetch = 0 : i64, scratch_operands = 5 : i64, tpu.core_type = #tpu.core_type<sc_vector_subcore>, window_params = [{transform_indices = #map}, {transform_indices = #map1}, {transform_indices = #map1}, {transform_indices = #map}, {transform_indices = #map2}]} {
    "tpu.region"() ({
      %run_scoped3A = tpu.sem_alloc : memref<!tpu.dma_semaphore, #tpu.memory_space<semaphore_mem>>
      %dma_start3A = arith.constant 0 : i32
      %dma_start3A_13 = arith.constant 0 : i32
      %dma_start3A_14 = tpu.memref_slice %arg3[%arg0, %arg1, %dma_start3A, %dma_start3A_13] : memref<2x16x79x128xi32, #tpu.memory_space<hbm>> -> memref<1x1x79x128xi32, #tpu.memory_space<hbm>>
      %dma_start3A_15 = tpu.memref_squeeze %dma_start3A_14 : memref<1x1x79x128xi32, #tpu.memory_space<hbm>> -> memref<79x128xi32, #tpu.memory_space<hbm>>
      %dma_start3A_16 = arith.constant 0 : i32
      %dma_start3A_17 = arith.constant 0 : i32
      %dma_start3A_18 = tpu.memref_slice %arg3[%arg0, %arg1, %dma_start3A_16, %dma_start3A_17] : memref<2x16x79x128xi32, #tpu.memory_space<hbm>> -> memref<1x1x79x128xi32, #tpu.memory_space<hbm>>
      %dma_start3A_19 = tpu.memref_squeeze %dma_start3A_18 : memref<1x1x79x128xi32, #tpu.memory_space<hbm>> -> memref<79x128xi32, #tpu.memory_space<hbm>>
      tpu.enqueue_dma source(%dma_start3A_19 : memref<79x128xi32, #tpu.memory_space<hbm>>) target(%arg7 : memref<79x128xi32, #tpu.memory_space<vmem>>) target_semaphore(%run_scoped3A : memref<!tpu.dma_semaphore, #tpu.memory_space<semaphore_mem>>)
      %dma_wait3A = arith.constant 0 : i32
      %dma_wait3A_20 = arith.constant 0 : i32
      %dma_wait3A_21 = tpu.memref_slice %arg3[%arg0, %arg1, %dma_wait3A, %dma_wait3A_20] : memref<2x16x79x128xi32, #tpu.memory_space<hbm>> -> memref<1x1x79x128xi32, #tpu.memory_space<hbm>>
      %dma_wait3A_22 = tpu.memref_squeeze %dma_wait3A_21 : memref<1x1x79x128xi32, #tpu.memory_space<hbm>> -> memref<79x128xi32, #tpu.memory_space<hbm>>
      %dma_wait3A_23 = arith.constant 0 : i32
      %dma_wait3A_24 = arith.constant 0 : i32
      %dma_wait3A_25 = tpu.memref_slice %arg3[%arg0, %arg1, %dma_wait3A_23, %dma_wait3A_24] : memref<2x16x79x128xi32, #tpu.memory_space<hbm>> -> memref<1x1x79x128xi32, #tpu.memory_space<hbm>>
      %dma_wait3A_26 = tpu.memref_squeeze %dma_wait3A_25 : memref<1x1x79x128xi32, #tpu.memory_space<hbm>> -> memref<79x128xi32, #tpu.memory_space<hbm>>
      tpu.wait_dma2 semaphore(%run_scoped3A : memref<!tpu.dma_semaphore, #tpu.memory_space<semaphore_mem>>) src(%dma_wait3A_26 : memref<79x128xi32, #tpu.memory_space<hbm>>) dst(%arg7 : memref<79x128xi32, #tpu.memory_space<vmem>>)
      tpu.yield
    }) : () -> ()
    "tpu.region"() ({
      %run_scoped3A = tpu.sem_alloc : memref<!tpu.dma_semaphore, #tpu.memory_space<semaphore_mem>>
      %dma_start3A = arith.constant 0 : i32
      %dma_start3A_13 = arith.constant 0 : i32
      %dma_start3A_14 = tpu.memref_slice %arg4[%arg0, %arg1, %dma_start3A, %dma_start3A_13] : memref<2x16x79x128xi32, #tpu.memory_space<hbm>> -> memref<1x1x79x128xi32, #tpu.memory_space<hbm>>
      %dma_start3A_15 = tpu.memref_squeeze %dma_start3A_14 : memref<1x1x79x128xi32, #tpu.memory_space<hbm>> -> memref<79x128xi32, #tpu.memory_space<hbm>>
      %dma_start3A_16 = arith.constant 0 : i32
      %dma_start3A_17 = arith.constant 0 : i32
      %dma_start3A_18 = tpu.memref_slice %arg4[%arg0, %arg1, %dma_start3A_16, %dma_start3A_17] : memref<2x16x79x128xi32, #tpu.memory_space<hbm>> -> memref<1x1x79x128xi32, #tpu.memory_space<hbm>>
      %dma_start3A_19 = tpu.memref_squeeze %dma_start3A_18 : memref<1x1x79x128xi32, #tpu.memory_space<hbm>> -> memref<79x128xi32, #tpu.memory_space<hbm>>
      tpu.enqueue_dma source(%dma_start3A_19 : memref<79x128xi32, #tpu.memory_space<hbm>>) target(%arg8 : memref<79x128xi32, #tpu.memory_space<vmem>>) target_semaphore(%run_scoped3A : memref<!tpu.dma_semaphore, #tpu.memory_space<semaphore_mem>>)
      %dma_wait3A = arith.constant 0 : i32
      %dma_wait3A_20 = arith.constant 0 : i32
      %dma_wait3A_21 = tpu.memref_slice %arg4[%arg0, %arg1, %dma_wait3A, %dma_wait3A_20] : memref<2x16x79x128xi32, #tpu.memory_space<hbm>> -> memref<1x1x79x128xi32, #tpu.memory_space<hbm>>
      %dma_wait3A_22 = tpu.memref_squeeze %dma_wait3A_21 : memref<1x1x79x128xi32, #tpu.memory_space<hbm>> -> memref<79x128xi32, #tpu.memory_space<hbm>>
      %dma_wait3A_23 = arith.constant 0 : i32
      %dma_wait3A_24 = arith.constant 0 : i32
      %dma_wait3A_25 = tpu.memref_slice %arg4[%arg0, %arg1, %dma_wait3A_23, %dma_wait3A_24] : memref<2x16x79x128xi32, #tpu.memory_space<hbm>> -> memref<1x1x79x128xi32, #tpu.memory_space<hbm>>
      %dma_wait3A_26 = tpu.memref_squeeze %dma_wait3A_25 : memref<1x1x79x128xi32, #tpu.memory_space<hbm>> -> memref<79x128xi32, #tpu.memory_space<hbm>>
      tpu.wait_dma2 semaphore(%run_scoped3A : memref<!tpu.dma_semaphore, #tpu.memory_space<semaphore_mem>>) src(%dma_wait3A_26 : memref<79x128xi32, #tpu.memory_space<hbm>>) dst(%arg8 : memref<79x128xi32, #tpu.memory_space<vmem>>)
      tpu.yield
    }) : () -> ()
    %mul3A = arith.constant 640 : i32
    %mul3A_0 = arith.muli %arg1, %mul3A : i32
    %mul3A_1 = arith.constant 640 : i32
    %mul3A_2 = arith.muli %arg1, %mul3A_1 : i32
    "tpu.region"() ({
      %run_scoped3A = tpu.sem_alloc : memref<!tpu.dma_semaphore, #tpu.memory_space<semaphore_mem>>
      %dma_start3A = arith.constant 0 : i32
      %dma_start3A_13 = tpu.memref_slice %arg10[%mul3A_2, %dma_start3A] : memref<10240x64xf32, #tpu.memory_space<vmem_shared>> -> memref<640x64xf32, #tpu.memory_space<vmem_shared>>
      %dma_start3A_14 = arith.constant 0 : i32
      %dma_start3A_15 = tpu.memref_slice %arg5[%mul3A_0, %dma_start3A_14] : memref<10240x64xf32, #tpu.memory_space<hbm>> -> memref<640x64xf32, #tpu.memory_space<hbm>>
      tpu.enqueue_dma source(%dma_start3A_15 : memref<640x64xf32, #tpu.memory_space<hbm>>) target(%dma_start3A_13 : memref<640x64xf32, #tpu.memory_space<vmem_shared>>) target_semaphore(%run_scoped3A : memref<!tpu.dma_semaphore, #tpu.memory_space<semaphore_mem>>)
      %dma_wait3A = arith.constant 0 : i32
      %dma_wait3A_16 = tpu.memref_slice %arg10[%mul3A_2, %dma_wait3A] : memref<10240x64xf32, #tpu.memory_space<vmem_shared>> -> memref<640x64xf32, #tpu.memory_space<vmem_shared>>
      %dma_wait3A_17 = arith.constant 0 : i32
      %dma_wait3A_18 = tpu.memref_slice %arg5[%mul3A_0, %dma_wait3A_17] : memref<10240x64xf32, #tpu.memory_space<hbm>> -> memref<640x64xf32, #tpu.memory_space<hbm>>
      tpu.wait_dma2 semaphore(%run_scoped3A : memref<!tpu.dma_semaphore, #tpu.memory_space<semaphore_mem>>) src(%dma_wait3A_18 : memref<640x64xf32, #tpu.memory_space<hbm>>) dst(%dma_wait3A_16 : memref<640x64xf32, #tpu.memory_space<vmem_shared>>)
      tpu.yield
    }) : () -> ()
    %barrier3A = arith.constant 0 : index
    tpu.barrier barrier_id(%barrier3A)
    %scan3A = arith.constant 0 : i32
    %scan3A_3 = arith.constant 0 : i32
    %scan3A_4 = arith.constant 79 : i32
    %scan3A_5 = arith.addi %scan3A_3, %scan3A_4 : i32
    %scan3A_6 = arith.constant 1 : i32
    scf.for %scan3A_13 = %scan3A_3 to %scan3A_5 step %scan3A_6  : i32 {
      %dma_start3A = arith.constant 0 : i32
      %dma_start3A_14 = tpu.memref_slice %arg7[%scan3A_13, %dma_start3A] : memref<79x128xi32, #tpu.memory_space<vmem>> -> memref<1x128xi32, #tpu.memory_space<vmem>>
      %dma_start3A_15 = tpu.memref_squeeze %dma_start3A_14 : memref<1x128xi32, #tpu.memory_space<vmem>> -> memref<128xi32, #tpu.memory_space<vmem>>
      %dma_start3A_16 = arith.constant 0 : i32
      %dma_start3A_17 = arith.constant 0 : i32
      %dma_start3A_18 = tpu.memref_slice %arg2[%dma_start3A_16, %dma_start3A_17] : memref<10240x64xf32, #tpu.memory_space<hbm>> -> memref<10240x64xf32, #tpu.memory_space<hbm>>
      tpu.enqueue_indirect_dma source(%dma_start3A_18 : memref<10240x64xf32, #tpu.memory_space<hbm>>) target(%arg9 : memref<128x64xf32, #tpu.memory_space<vmem>>) offsets(%dma_start3A_15 : memref<128xi32, #tpu.memory_space<vmem>>) semaphore(%arg11 : memref<!tpu.dma_semaphore, #tpu.memory_space<semaphore_mem>>)
      %dma_wait3A = arith.constant 0 : i32
      %dma_wait3A_19 = tpu.memref_slice %arg7[%scan3A_13, %dma_wait3A] : memref<79x128xi32, #tpu.memory_space<vmem>> -> memref<1x128xi32, #tpu.memory_space<vmem>>
      %dma_wait3A_20 = tpu.memref_squeeze %dma_wait3A_19 : memref<1x128xi32, #tpu.memory_space<vmem>> -> memref<128xi32, #tpu.memory_space<vmem>>
      %dma_wait3A_21 = arith.constant 0 : i32
      %dma_wait3A_22 = arith.constant 0 : i32
      %dma_wait3A_23 = tpu.memref_slice %arg2[%dma_wait3A_21, %dma_wait3A_22] : memref<10240x64xf32, #tpu.memory_space<hbm>> -> memref<10240x64xf32, #tpu.memory_space<hbm>>
      tpu.wait_indirect_dma semaphore(%arg11 : memref<!tpu.dma_semaphore, #tpu.memory_space<semaphore_mem>>) src(%dma_wait3A_23 : memref<10240x64xf32, #tpu.memory_space<hbm>>) dst(%arg9 : memref<128x64xf32, #tpu.memory_space<vmem>>)
      "tpu.region"() ({
        %run_scoped3A = tpu.sem_alloc : memref<!tpu.dma_semaphore, #tpu.memory_space<semaphore_mem>>
        %dma_start3A_24 = arith.constant 0 : i32
        %dma_start3A_25 = tpu.memref_slice %arg8[%scan3A_13, %dma_start3A_24] : memref<79x128xi32, #tpu.memory_space<vmem>> -> memref<1x128xi32, #tpu.memory_space<vmem>>
        %dma_start3A_26 = tpu.memref_squeeze %dma_start3A_25 : memref<1x128xi32, #tpu.memory_space<vmem>> -> memref<128xi32, #tpu.memory_space<vmem>>
        %dma_start3A_27 = arith.constant 0 : i32
        %dma_start3A_28 = arith.constant 0 : i32
        %dma_start3A_29 = tpu.memref_slice %arg10[%dma_start3A_27, %dma_start3A_28] : memref<10240x64xf32, #tpu.memory_space<vmem_shared>> -> memref<10240x64xf32, #tpu.memory_space<vmem_shared>>
        tpu.enqueue_indirect_dma source(%arg9 : memref<128x64xf32, #tpu.memory_space<vmem>>) target(%dma_start3A_29 : memref<10240x64xf32, #tpu.memory_space<vmem_shared>>) offsets(%dma_start3A_26 : memref<128xi32, #tpu.memory_space<vmem>>) semaphore(%run_scoped3A : memref<!tpu.dma_semaphore, #tpu.memory_space<semaphore_mem>>) {add = true}
        %dma_wait3A_30 = arith.constant 0 : i32
        %dma_wait3A_31 = tpu.memref_slice %arg8[%scan3A_13, %dma_wait3A_30] : memref<79x128xi32, #tpu.memory_space<vmem>> -> memref<1x128xi32, #tpu.memory_space<vmem>>
        %dma_wait3A_32 = tpu.memref_squeeze %dma_wait3A_31 : memref<1x128xi32, #tpu.memory_space<vmem>> -> memref<128xi32, #tpu.memory_space<vmem>>
        %dma_wait3A_33 = arith.constant 0 : i32
        %dma_wait3A_34 = arith.constant 0 : i32
        %dma_wait3A_35 = tpu.memref_slice %arg10[%dma_wait3A_33, %dma_wait3A_34] : memref<10240x64xf32, #tpu.memory_space<vmem_shared>> -> memref<10240x64xf32, #tpu.memory_space<vmem_shared>>
        tpu.wait_indirect_dma semaphore(%run_scoped3A : memref<!tpu.dma_semaphore, #tpu.memory_space<semaphore_mem>>) src(%arg9 : memref<128x64xf32, #tpu.memory_space<vmem>>) dst(%dma_wait3A_35 : memref<10240x64xf32, #tpu.memory_space<vmem_shared>>)
        tpu.yield
      }) : () -> ()
    }
    %scan3A_7 = arith.constant 79 : i32
    %barrier3A_8 = arith.constant 0 : index
    tpu.barrier barrier_id(%barrier3A_8)
    %mul3A_9 = arith.constant 640 : i32
    %mul3A_10 = arith.muli %arg1, %mul3A_9 : i32
    %mul3A_11 = arith.constant 640 : i32
    %mul3A_12 = arith.muli %arg1, %mul3A_11 : i32
    "tpu.region"() ({
      %run_scoped3A = tpu.sem_alloc : memref<!tpu.dma_semaphore, #tpu.memory_space<semaphore_mem>>
      %dma_start3A = arith.constant 0 : i32
      %dma_start3A_13 = tpu.memref_slice %arg6[%arg0, %mul3A_12, %dma_start3A] : memref<2x10240x64xf32, #tpu.memory_space<hbm>> -> memref<1x640x64xf32, #tpu.memory_space<hbm>>
      %dma_start3A_14 = tpu.memref_squeeze %dma_start3A_13 : memref<1x640x64xf32, #tpu.memory_space<hbm>> -> memref<640x64xf32, #tpu.memory_space<hbm>>
      %dma_start3A_15 = arith.constant 0 : i32
      %dma_start3A_16 = tpu.memref_slice %arg10[%mul3A_10, %dma_start3A_15] : memref<10240x64xf32, #tpu.memory_space<vmem_shared>> -> memref<640x64xf32, #tpu.memory_space<vmem_shared>>
      tpu.enqueue_dma source(%dma_start3A_16 : memref<640x64xf32, #tpu.memory_space<vmem_shared>>) target(%dma_start3A_14 : memref<640x64xf32, #tpu.memory_space<hbm>>) target_semaphore(%run_scoped3A : memref<!tpu.dma_semaphore, #tpu.memory_space<semaphore_mem>>)
      %dma_wait3A = arith.constant 0 : i32
      %dma_wait3A_17 = tpu.memref_slice %arg6[%arg0, %mul3A_12, %dma_wait3A] : memref<2x10240x64xf32, #tpu.memory_space<hbm>> -> memref<1x640x64xf32, #tpu.memory_space<hbm>>
      %dma_wait3A_18 = tpu.memref_squeeze %dma_wait3A_17 : memref<1x640x64xf32, #tpu.memory_space<hbm>> -> memref<640x64xf32, #tpu.memory_space<hbm>>
      %dma_wait3A_19 = arith.constant 0 : i32
      %dma_wait3A_20 = tpu.memref_slice %arg10[%mul3A_10, %dma_wait3A_19] : memref<10240x64xf32, #tpu.memory_space<vmem_shared>> -> memref<640x64xf32, #tpu.memory_space<vmem_shared>>
      tpu.wait_dma2 semaphore(%run_scoped3A : memref<!tpu.dma_semaphore, #tpu.memory_space<semaphore_mem>>) src(%dma_wait3A_20 : memref<640x64xf32, #tpu.memory_space<vmem_shared>>) dst(%dma_wait3A_18 : memref<640x64xf32, #tpu.memory_space<hbm>>)
      tpu.yield
    }) : () -> ()
    return
  }
}

#map = affine_map<(d0, d1) -> (0, 0)>
#map1 = affine_map<(d0, d1) -> (0, 0, 0, 0)>
#map2 = affine_map<(d0, d1) -> (0, 0, 0)>
module attributes {stable_mosaic.version = 14 : i64} {
  func.func @body(%arg0: i32, %arg1: i32, %arg2: memref<10240x64xf32, #tpu.memory_space<hbm>>, %arg3: memref<2x16x79x128xi32, #tpu.memory_space<hbm>>, %arg4: memref<2x16x79x128xi32, #tpu.memory_space<hbm>>, %arg5: memref<10240x64xf32, #tpu.memory_space<hbm>>, %arg6: memref<2x10240x64xf32, #tpu.memory_space<hbm>>, %arg7: memref<79x128xi32, #tpu.memory_space<vmem>>, %arg8: memref<79x128xi32, #tpu.memory_space<vmem>>, %arg9: memref<128x64xf32, #tpu.memory_space<vmem>>, %arg10: memref<10240x64xf32, #tpu.memory_space<vmem_shared>>, %arg11: memref<!tpu.dma_semaphore, #tpu.memory_space<semaphore_mem>>) attributes {dimension_semantics = [#tpu.dimension_semantics<core_parallel>, #tpu.dimension_semantics<subcore_parallel>], iteration_bounds = array<i64: 2, 16>, scalar_prefetch = 0 : i64, scratch_operands = 5 : i64, tpu.core_type = #tpu.core_type<sc_vector_subcore>, window_params = [{transform_indices = #map}, {transform_indices = #map1}, {transform_indices = #map1}, {transform_indices = #map}, {transform_indices = #map2}]} {
    "tpu.region"() ({
      %run_scoped3A = tpu.sem_alloc : memref<!tpu.dma_semaphore, #tpu.memory_space<semaphore_mem>>
      %dma_start3A = arith.constant 0 : i32
      %dma_start3A_13 = arith.constant 0 : i32
      %dma_start3A_14 = tpu.memref_slice %arg3[%arg0, %arg1, %dma_start3A, %dma_start3A_13] : memref<2x16x79x128xi32, #tpu.memory_space<hbm>> -> memref<1x1x79x128xi32, #tpu.memory_space<hbm>>
      %dma_start3A_15 = tpu.memref_squeeze %dma_start3A_14 : memref<1x1x79x128xi32, #tpu.memory_space<hbm>> -> memref<79x128xi32, #tpu.memory_space<hbm>>
      %dma_start3A_16 = arith.constant 0 : i32
      %dma_start3A_17 = arith.constant 0 : i32
      %dma_start3A_18 = tpu.memref_slice %arg3[%arg0, %arg1, %dma_start3A_16, %dma_start3A_17] : memref<2x16x79x128xi32, #tpu.memory_space<hbm>> -> memref<1x1x79x128xi32, #tpu.memory_space<hbm>>
      %dma_start3A_19 = tpu.memref_squeeze %dma_start3A_18 : memref<1x1x79x128xi32, #tpu.memory_space<hbm>> -> memref<79x128xi32, #tpu.memory_space<hbm>>
      tpu.enqueue_dma source(%dma_start3A_19 : memref<79x128xi32, #tpu.memory_space<hbm>>) target(%arg7 : memref<79x128xi32, #tpu.memory_space<vmem>>) target_semaphore(%run_scoped3A : memref<!tpu.dma_semaphore, #tpu.memory_space<semaphore_mem>>)
      %dma_wait3A = arith.constant 0 : i32
      %dma_wait3A_20 = arith.constant 0 : i32
      %dma_wait3A_21 = tpu.memref_slice %arg3[%arg0, %arg1, %dma_wait3A, %dma_wait3A_20] : memref<2x16x79x128xi32, #tpu.memory_space<hbm>> -> memref<1x1x79x128xi32, #tpu.memory_space<hbm>>
      %dma_wait3A_22 = tpu.memref_squeeze %dma_wait3A_21 : memref<1x1x79x128xi32, #tpu.memory_space<hbm>> -> memref<79x128xi32, #tpu.memory_space<hbm>>
      %dma_wait3A_23 = arith.constant 0 : i32
      %dma_wait3A_24 = arith.constant 0 : i32
      %dma_wait3A_25 = tpu.memref_slice %arg3[%arg0, %arg1, %dma_wait3A_23, %dma_wait3A_24] : memref<2x16x79x128xi32, #tpu.memory_space<hbm>> -> memref<1x1x79x128xi32, #tpu.memory_space<hbm>>
      %dma_wait3A_26 = tpu.memref_squeeze %dma_wait3A_25 : memref<1x1x79x128xi32, #tpu.memory_space<hbm>> -> memref<79x128xi32, #tpu.memory_space<hbm>>
      tpu.wait_dma2 semaphore(%run_scoped3A : memref<!tpu.dma_semaphore, #tpu.memory_space<semaphore_mem>>) src(%dma_wait3A_26 : memref<79x128xi32, #tpu.memory_space<hbm>>) dst(%arg7 : memref<79x128xi32, #tpu.memory_space<vmem>>)
      tpu.yield
    }) : () -> ()
    "tpu.region"() ({
      %run_scoped3A = tpu.sem_alloc : memref<!tpu.dma_semaphore, #tpu.memory_space<semaphore_mem>>
      %dma_start3A = arith.constant 0 : i32
      %dma_start3A_13 = arith.constant 0 : i32
      %dma_start3A_14 = tpu.memref_slice %arg4[%arg0, %arg1, %dma_start3A, %dma_start3A_13] : memref<2x16x79x128xi32, #tpu.memory_space<hbm>> -> memref<1x1x79x128xi32, #tpu.memory_space<hbm>>
      %dma_start3A_15 = tpu.memref_squeeze %dma_start3A_14 : memref<1x1x79x128xi32, #tpu.memory_space<hbm>> -> memref<79x128xi32, #tpu.memory_space<hbm>>
      %dma_start3A_16 = arith.constant 0 : i32
      %dma_start3A_17 = arith.constant 0 : i32
      %dma_start3A_18 = tpu.memref_slice %arg4[%arg0, %arg1, %dma_start3A_16, %dma_start3A_17] : memref<2x16x79x128xi32, #tpu.memory_space<hbm>> -> memref<1x1x79x128xi32, #tpu.memory_space<hbm>>
      %dma_start3A_19 = tpu.memref_squeeze %dma_start3A_18 : memref<1x1x79x128xi32, #tpu.memory_space<hbm>> -> memref<79x128xi32, #tpu.memory_space<hbm>>
      tpu.enqueue_dma source(%dma_start3A_19 : memref<79x128xi32, #tpu.memory_space<hbm>>) target(%arg8 : memref<79x128xi32, #tpu.memory_space<vmem>>) target_semaphore(%run_scoped3A : memref<!tpu.dma_semaphore, #tpu.memory_space<semaphore_mem>>)
      %dma_wait3A = arith.constant 0 : i32
      %dma_wait3A_20 = arith.constant 0 : i32
      %dma_wait3A_21 = tpu.memref_slice %arg4[%arg0, %arg1, %dma_wait3A, %dma_wait3A_20] : memref<2x16x79x128xi32, #tpu.memory_space<hbm>> -> memref<1x1x79x128xi32, #tpu.memory_space<hbm>>
      %dma_wait3A_22 = tpu.memref_squeeze %dma_wait3A_21 : memref<1x1x79x128xi32, #tpu.memory_space<hbm>> -> memref<79x128xi32, #tpu.memory_space<hbm>>
      %dma_wait3A_23 = arith.constant 0 : i32
      %dma_wait3A_24 = arith.constant 0 : i32
      %dma_wait3A_25 = tpu.memref_slice %arg4[%arg0, %arg1, %dma_wait3A_23, %dma_wait3A_24] : memref<2x16x79x128xi32, #tpu.memory_space<hbm>> -> memref<1x1x79x128xi32, #tpu.memory_space<hbm>>
      %dma_wait3A_26 = tpu.memref_squeeze %dma_wait3A_25 : memref<1x1x79x128xi32, #tpu.memory_space<hbm>> -> memref<79x128xi32, #tpu.memory_space<hbm>>
      tpu.wait_dma2 semaphore(%run_scoped3A : memref<!tpu.dma_semaphore, #tpu.memory_space<semaphore_mem>>) src(%dma_wait3A_26 : memref<79x128xi32, #tpu.memory_space<hbm>>) dst(%arg8 : memref<79x128xi32, #tpu.memory_space<vmem>>)
      tpu.yield
    }) : () -> ()
    %mul3A = arith.constant 640 : i32
    %mul3A_0 = arith.muli %arg1, %mul3A : i32
    %mul3A_1 = arith.constant 640 : i32
    %mul3A_2 = arith.muli %arg1, %mul3A_1 : i32
    "tpu.region"() ({
      %run_scoped3A = tpu.sem_alloc : memref<!tpu.dma_semaphore, #tpu.memory_space<semaphore_mem>>
      %dma_start3A = arith.constant 0 : i32
      %dma_start3A_13 = tpu.memref_slice %arg10[%mul3A_2, %dma_start3A] : memref<10240x64xf32, #tpu.memory_space<vmem_shared>> -> memref<640x64xf32, #tpu.memory_space<vmem_shared>>
      %dma_start3A_14 = arith.constant 0 : i32
      %dma_start3A_15 = tpu.memref_slice %arg5[%mul3A_0, %dma_start3A_14] : memref<10240x64xf32, #tpu.memory_space<hbm>> -> memref<640x64xf32, #tpu.memory_space<hbm>>
      tpu.enqueue_dma source(%dma_start3A_15 : memref<640x64xf32, #tpu.memory_space<hbm>>) target(%dma_start3A_13 : memref<640x64xf32, #tpu.memory_space<vmem_shared>>) target_semaphore(%run_scoped3A : memref<!tpu.dma_semaphore, #tpu.memory_space<semaphore_mem>>)
      %dma_wait3A = arith.constant 0 : i32
      %dma_wait3A_16 = tpu.memref_slice %arg10[%mul3A_2, %dma_wait3A] : memref<10240x64xf32, #tpu.memory_space<vmem_shared>> -> memref<640x64xf32, #tpu.memory_space<vmem_shared>>
      %dma_wait3A_17 = arith.constant 0 : i32
      %dma_wait3A_18 = tpu.memref_slice %arg5[%mul3A_0, %dma_wait3A_17] : memref<10240x64xf32, #tpu.memory_space<hbm>> -> memref<640x64xf32, #tpu.memory_space<hbm>>
      tpu.wait_dma2 semaphore(%run_scoped3A : memref<!tpu.dma_semaphore, #tpu.memory_space<semaphore_mem>>) src(%dma_wait3A_18 : memref<640x64xf32, #tpu.memory_space<hbm>>) dst(%dma_wait3A_16 : memref<640x64xf32, #tpu.memory_space<vmem_shared>>)
      tpu.yield
    }) : () -> ()
    %barrier3A = arith.constant 0 : index
    tpu.barrier barrier_id(%barrier3A)
    %scan3A = arith.constant 0 : i32
    %scan3A_3 = arith.constant 0 : i32
    %scan3A_4 = arith.constant 79 : i32
    %scan3A_5 = arith.addi %scan3A_3, %scan3A_4 : i32
    %scan3A_6 = arith.constant 1 : i32
    scf.for %scan3A_13 = %scan3A_3 to %scan3A_5 step %scan3A_6  : i32 {
      %dma_start3A = arith.constant 0 : i32
      %dma_start3A_14 = tpu.memref_slice %arg7[%scan3A_13, %dma_start3A] : memref<79x128xi32, #tpu.memory_space<vmem>> -> memref<1x128xi32, #tpu.memory_space<vmem>>
      %dma_start3A_15 = tpu.memref_squeeze %dma_start3A_14 : memref<1x128xi32, #tpu.memory_space<vmem>> -> memref<128xi32, #tpu.memory_space<vmem>>
      %dma_start3A_16 = arith.constant 0 : i32
      %dma_start3A_17 = arith.constant 0 : i32
      %dma_start3A_18 = tpu.memref_slice %arg2[%dma_start3A_16, %dma_start3A_17] : memref<10240x64xf32, #tpu.memory_space<hbm>> -> memref<10240x64xf32, #tpu.memory_space<hbm>>
      tpu.enqueue_indirect_dma source(%dma_start3A_18 : memref<10240x64xf32, #tpu.memory_space<hbm>>) target(%arg9 : memref<128x64xf32, #tpu.memory_space<vmem>>) offsets(%dma_start3A_15 : memref<128xi32, #tpu.memory_space<vmem>>) semaphore(%arg11 : memref<!tpu.dma_semaphore, #tpu.memory_space<semaphore_mem>>)
      %dma_wait3A = arith.constant 0 : i32
      %dma_wait3A_19 = tpu.memref_slice %arg7[%scan3A_13, %dma_wait3A] : memref<79x128xi32, #tpu.memory_space<vmem>> -> memref<1x128xi32, #tpu.memory_space<vmem>>
      %dma_wait3A_20 = tpu.memref_squeeze %dma_wait3A_19 : memref<1x128xi32, #tpu.memory_space<vmem>> -> memref<128xi32, #tpu.memory_space<vmem>>
      %dma_wait3A_21 = arith.constant 0 : i32
      %dma_wait3A_22 = arith.constant 0 : i32
      %dma_wait3A_23 = tpu.memref_slice %arg2[%dma_wait3A_21, %dma_wait3A_22] : memref<10240x64xf32, #tpu.memory_space<hbm>> -> memref<10240x64xf32, #tpu.memory_space<hbm>>
      tpu.wait_indirect_dma semaphore(%arg11 : memref<!tpu.dma_semaphore, #tpu.memory_space<semaphore_mem>>) src(%dma_wait3A_23 : memref<10240x64xf32, #tpu.memory_space<hbm>>) dst(%arg9 : memref<128x64xf32, #tpu.memory_space<vmem>>)
      "tpu.region"() ({
        %run_scoped3A = tpu.sem_alloc : memref<!tpu.dma_semaphore, #tpu.memory_space<semaphore_mem>>
        %dma_start3A_24 = arith.constant 0 : i32
        %dma_start3A_25 = tpu.memref_slice %arg8[%scan3A_13, %dma_start3A_24] : memref<79x128xi32, #tpu.memory_space<vmem>> -> memref<1x128xi32, #tpu.memory_space<vmem>>
        %dma_start3A_26 = tpu.memref_squeeze %dma_start3A_25 : memref<1x128xi32, #tpu.memory_space<vmem>> -> memref<128xi32, #tpu.memory_space<vmem>>
        %dma_start3A_27 = arith.constant 0 : i32
        %dma_start3A_28 = arith.constant 0 : i32
        %dma_start3A_29 = tpu.memref_slice %arg10[%dma_start3A_27, %dma_start3A_28] : memref<10240x64xf32, #tpu.memory_space<vmem_shared>> -> memref<10240x64xf32, #tpu.memory_space<vmem_shared>>
        tpu.enqueue_indirect_dma source(%arg9 : memref<128x64xf32, #tpu.memory_space<vmem>>) target(%dma_start3A_29 : memref<10240x64xf32, #tpu.memory_space<vmem_shared>>) offsets(%dma_start3A_26 : memref<128xi32, #tpu.memory_space<vmem>>) semaphore(%run_scoped3A : memref<!tpu.dma_semaphore, #tpu.memory_space<semaphore_mem>>) {add = true}
        %dma_wait3A_30 = arith.constant 0 : i32
        %dma_wait3A_31 = tpu.memref_slice %arg8[%scan3A_13, %dma_wait3A_30] : memref<79x128xi32, #tpu.memory_space<vmem>> -> memref<1x128xi32, #tpu.memory_space<vmem>>
        %dma_wait3A_32 = tpu.memref_squeeze %dma_wait3A_31 : memref<1x128xi32, #tpu.memory_space<vmem>> -> memref<128xi32, #tpu.memory_space<vmem>>
        %dma_wait3A_33 = arith.constant 0 : i32
        %dma_wait3A_34 = arith.constant 0 : i32
        %dma_wait3A_35 = tpu.memref_slice %arg10[%dma_wait3A_33, %dma_wait3A_34] : memref<10240x64xf32, #tpu.memory_space<vmem_shared>> -> memref<10240x64xf32, #tpu.memory_space<vmem_shared>>
        tpu.wait_indirect_dma semaphore(%run_scoped3A : memref<!tpu.dma_semaphore, #tpu.memory_space<semaphore_mem>>) src(%arg9 : memref<128x64xf32, #tpu.memory_space<vmem>>) dst(%dma_wait3A_35 : memref<10240x64xf32, #tpu.memory_space<vmem_shared>>)
        tpu.yield
      }) : () -> ()
    }
    %scan3A_7 = arith.constant 79 : i32
    %barrier3A_8 = arith.constant 0 : index
    tpu.barrier barrier_id(%barrier3A_8)
    %mul3A_9 = arith.constant 640 : i32
    %mul3A_10 = arith.muli %arg1, %mul3A_9 : i32
    %mul3A_11 = arith.constant 640 : i32
    %mul3A_12 = arith.muli %arg1, %mul3A_11 : i32
    "tpu.region"() ({
      %run_scoped3A = tpu.sem_alloc : memref<!tpu.dma_semaphore, #tpu.memory_space<semaphore_mem>>
      %dma_start3A = arith.constant 0 : i32
      %dma_start3A_13 = tpu.memref_slice %arg6[%arg0, %mul3A_12, %dma_start3A] : memref<2x10240x64xf32, #tpu.memory_space<hbm>> -> memref<1x640x64xf32, #tpu.memory_space<hbm>>
      %dma_start3A_14 = tpu.memref_squeeze %dma_start3A_13 : memref<1x640x64xf32, #tpu.memory_space<hbm>> -> memref<640x64xf32, #tpu.memory_space<hbm>>
      %dma_start3A_15 = arith.constant 0 : i32
      %dma_start3A_16 = tpu.memref_slice %arg10[%mul3A_10, %dma_start3A_15] : memref<10240x64xf32, #tpu.memory_space<vmem_shared>> -> memref<640x64xf32, #tpu.memory_space<vmem_shared>>
      tpu.enqueue_dma source(%dma_start3A_16 : memref<640x64xf32, #tpu.memory_space<vmem_shared>>) target(%dma_start3A_14 : memref<640x64xf32, #tpu.memory_space<hbm>>) target_semaphore(%run_scoped3A : memref<!tpu.dma_semaphore, #tpu.memory_space<semaphore_mem>>)
      %dma_wait3A = arith.constant 0 : i32
      %dma_wait3A_17 = tpu.memref_slice %arg6[%arg0, %mul3A_12, %dma_wait3A] : memref<2x10240x64xf32, #tpu.memory_space<hbm>> -> memref<1x640x64xf32, #tpu.memory_space<hbm>>
      %dma_wait3A_18 = tpu.memref_squeeze %dma_wait3A_17 : memref<1x640x64xf32, #tpu.memory_space<hbm>> -> memref<640x64xf32, #tpu.memory_space<hbm>>
      %dma_wait3A_19 = arith.constant 0 : i32
      %dma_wait3A_20 = tpu.memref_slice %arg10[%mul3A_10, %dma_wait3A_19] : memref<10240x64xf32, #tpu.memory_space<vmem_shared>> -> memref<640x64xf32, #tpu.memory_space<vmem_shared>>
      tpu.wait_dma2 semaphore(%run_scoped3A : memref<!tpu.dma_semaphore, #tpu.memory_space<semaphore_mem>>) src(%dma_wait3A_20 : memref<640x64xf32, #tpu.memory_space<vmem_shared>>) dst(%dma_wait3A_18 : memref<640x64xf32, #tpu.memory_space<hbm>>)
      tpu.yield
    }) : () -> ()
    return
  }
}

module attributes {stable_mosaic.version = 14 : i64} {
  func.func @_pre_body(%arg0: i32, %arg1: memref<512x128xf32, #tpu.memory_space<vmem>>, %arg2: memref<512x1xf32, #tpu.memory_space<vmem>>, %arg3: memref<512x1xf32, #tpu.memory_space<vmem>>, %arg4: memref<128x128xf32, #tpu.memory_space<vmem>>, %arg5: memref<512x128xf32, #tpu.memory_space<vmem>>, %arg6: memref<512x1xf32, #tpu.memory_space<vmem>>) attributes {dimension_semantics = [#tpu.dimension_semantics<arbitrary>], iteration_bounds = array<i64: 20>, scalar_prefetch = 0 : i64, scratch_operands = 0 : i64, tpu.core_type = #tpu.core_type<tc>, window_params = [{transform_indices = @transform_0, window_bounds = array<i64: 512, 128>}, {transform_indices = @transform_1, window_bounds = array<i64: 512, 1>}, {transform_indices = @transform_2, window_bounds = array<i64: 512, 1>}, {pipeline_mode = #tpu.pipeline_mode<synchronous>, transform_indices = @transform_3, window_bounds = array<i64: 128, 128>}, {transform_indices = @transform_4, window_bounds = array<i64: 512, 128>}, {transform_indices = @transform_5, window_bounds = array<i64: 512, 1>}]} {
    %get3A = arith.constant 0 : index
    %get3A_0 = arith.constant 0 : index
    %get3A_1 = vector.load %arg2[%get3A, %get3A_0] : memref<512x1xf32, #tpu.memory_space<vmem>>, vector<512x1xf32>
    %get3A_2 = arith.constant 0 : index
    %get3A_3 = arith.constant 0 : index
    %get3A_4 = vector.load %arg3[%get3A_2, %get3A_3] : memref<512x1xf32, #tpu.memory_space<vmem>>, vector<512x1xf32>
    %add3A = arith.addf %get3A_1, %get3A_4 : vector<512x1xf32>
    %add3A_5 = arith.constant 1.000000e+00 : f32
    %add3A_6 = vector.broadcast %add3A_5 : f32 to vector<512x1xf32>
    %add3A_7 = arith.addf %add3A, %add3A_6 : vector<512x1xf32>
    %rsqrt3A = math.rsqrt %add3A_7 : vector<512x1xf32>
    %get3A_8 = arith.constant 0 : index
    %get3A_9 = arith.constant 0 : index
    %get3A_10 = vector.load %arg1[%get3A_8, %get3A_9] : memref<512x128xf32, #tpu.memory_space<vmem>>, vector<512x128xf32>
    %get3A_11 = arith.constant 0 : index
    %get3A_12 = arith.constant 0 : index
    %get3A_13 = vector.load %arg4[%get3A_11, %get3A_12] : memref<128x128xf32, #tpu.memory_space<vmem>>, vector<128x128xf32>
    %dot_general3A = arith.constant dense<0.000000e+00> : vector<512x128xf32>
    %dot_general3A_14 = tpu.matmul %get3A_10, %get3A_13, %dot_general3A {dimension_numbers = #tpu.dot_dimension_numbers<[1], [0], [0], [1], [0, 0, 1, 1], [], []>, transpose_lhs_hint = false} : vector<512x128xf32>, vector<128x128xf32>, vector<512x128xf32> -> vector<512x128xf32>
    %mul3A = vector.broadcast %rsqrt3A : vector<512x1xf32> to vector<512x128xf32>
    %mul3A_15 = arith.mulf %dot_general3A_14, %mul3A : vector<512x128xf32>
    %swap3A = arith.constant 0 : index
    %swap3A_16 = arith.constant 0 : index
    %swap3A_17 = vector.load %arg5[%swap3A, %swap3A_16] : memref<512x128xf32, #tpu.memory_space<vmem>>, vector<512x128xf32>
    tpu.vector_store %arg5[%swap3A, %swap3A_16], %mul3A_15 {strides = array<i32>} : memref<512x128xf32, #tpu.memory_space<vmem>>, vector<512x128xf32>,
    %swap3A_18 = arith.constant 0 : index
    %swap3A_19 = arith.constant 0 : index
    %swap3A_20 = vector.load %arg6[%swap3A_18, %swap3A_19] : memref<512x1xf32, #tpu.memory_space<vmem>>, vector<512x1xf32>
    tpu.vector_store %arg6[%swap3A_18, %swap3A_19], %rsqrt3A {strides = array<i32>} : memref<512x1xf32, #tpu.memory_space<vmem>>, vector<512x1xf32>,
    return
  }
  func.func @transform_0(%arg0: i32) -> (i32, i32) {
    %c0_i32 = arith.constant 0 : i32
    %c0_i32_0 = arith.constant 0 : i32
    return %arg0, %c0_i32 : i32, i32
  }
  func.func @transform_1(%arg0: i32) -> (i32, i32) {
    %c0_i32 = arith.constant 0 : i32
    %c0_i32_0 = arith.constant 0 : i32
    return %arg0, %c0_i32 : i32, i32
  }
  func.func @transform_2(%arg0: i32) -> (i32, i32) {
    %c0_i32 = arith.constant 0 : i32
    %c0_i32_0 = arith.constant 0 : i32
    return %arg0, %c0_i32 : i32, i32
  }
  func.func @transform_3(%arg0: i32) -> (i32, i32) {
    %c0_i32 = arith.constant 0 : i32
    %c0_i32_0 = arith.constant 0 : i32
    %c0_i32_1 = arith.constant 0 : i32
    return %c0_i32, %c0_i32_0 : i32, i32
  }
  func.func @transform_4(%arg0: i32) -> (i32, i32) {
    %c0_i32 = arith.constant 0 : i32
    %c0_i32_0 = arith.constant 0 : i32
    return %arg0, %c0_i32 : i32, i32
  }
  func.func @transform_5(%arg0: i32) -> (i32, i32) {
    %c0_i32 = arith.constant 0 : i32
    %c0_i32_0 = arith.constant 0 : i32
    return %arg0, %c0_i32 : i32, i32
  }
}

module attributes {stable_mosaic.version = 14 : i64} {
  func.func @_mid_body(%arg0: i32, %arg1: memref<512x128xf32, #tpu.memory_space<vmem>>, %arg2: memref<512x128xf32, #tpu.memory_space<vmem>>, %arg3: memref<512x128xf32, #tpu.memory_space<vmem>>, %arg4: memref<512x1xf32, #tpu.memory_space<vmem>>, %arg5: memref<1x128xf32, #tpu.memory_space<vmem>>, %arg6: memref<128x64xf32, #tpu.memory_space<vmem>>, %arg7: memref<512x64xf32, #tpu.memory_space<vmem>>) attributes {dimension_semantics = [#tpu.dimension_semantics<arbitrary>], iteration_bounds = array<i64: 20>, scalar_prefetch = 0 : i64, scratch_operands = 0 : i64, tpu.core_type = #tpu.core_type<tc>, window_params = [{transform_indices = @transform_0, window_bounds = array<i64: 512, 128>}, {transform_indices = @transform_1, window_bounds = array<i64: 512, 128>}, {transform_indices = @transform_2, window_bounds = array<i64: 512, 128>}, {transform_indices = @transform_3, window_bounds = array<i64: 512, 1>}, {pipeline_mode = #tpu.pipeline_mode<synchronous>, transform_indices = @transform_4, window_bounds = array<i64: 1, 128>}, {pipeline_mode = #tpu.pipeline_mode<synchronous>, transform_indices = @transform_5, window_bounds = array<i64: 128, 64>}, {transform_indices = @transform_6, window_bounds = array<i64: 512, 64>}]} {
    %get3A = arith.constant 0 : index
    %get3A_0 = arith.constant 0 : index
    %get3A_1 = vector.load %arg4[%get3A, %get3A_0] : memref<512x1xf32, #tpu.memory_space<vmem>>, vector<512x1xf32>
    %get3A_2 = arith.constant 0 : index
    %get3A_3 = arith.constant 0 : index
    %get3A_4 = vector.load %arg1[%get3A_2, %get3A_3] : memref<512x128xf32, #tpu.memory_space<vmem>>, vector<512x128xf32>
    %get3A_5 = arith.constant 0 : index
    %get3A_6 = arith.constant 0 : index
    %get3A_7 = vector.load %arg2[%get3A_5, %get3A_6] : memref<512x128xf32, #tpu.memory_space<vmem>>, vector<512x128xf32>
    %add3A = arith.addf %get3A_4, %get3A_7 : vector<512x128xf32>
    %get3A_8 = arith.constant 0 : index
    %get3A_9 = arith.constant 0 : index
    %get3A_10 = vector.load %arg3[%get3A_8, %get3A_9] : memref<512x128xf32, #tpu.memory_space<vmem>>, vector<512x128xf32>
    %add3A_11 = arith.addf %add3A, %get3A_10 : vector<512x128xf32>
    %mul3A = vector.broadcast %get3A_1 : vector<512x1xf32> to vector<512x128xf32>
    %mul3A_12 = arith.mulf %add3A_11, %mul3A : vector<512x128xf32>
    %get3A_13 = arith.constant 0 : index
    %get3A_14 = arith.constant 0 : index
    %get3A_15 = vector.load %arg5[%get3A_13, %get3A_14] : memref<1x128xf32, #tpu.memory_space<vmem>>, vector<1x128xf32>
    %add3A_16 = vector.broadcast %get3A_15 : vector<1x128xf32> to vector<512x128xf32>
    %add3A_17 = arith.addf %mul3A_12, %add3A_16 : vector<512x128xf32>
    %max3A = arith.constant 0.000000e+00 : f32
    %max3A_18 = vector.broadcast %max3A : f32 to vector<512x128xf32>
    %max3A_19 = arith.maximumf %add3A_17, %max3A_18 : vector<512x128xf32>
    %get3A_20 = arith.constant 0 : index
    %get3A_21 = arith.constant 0 : index
    %get3A_22 = vector.load %arg6[%get3A_20, %get3A_21] : memref<128x64xf32, #tpu.memory_space<vmem>>, vector<128x64xf32>
    %dot_general3A = arith.constant dense<0.000000e+00> : vector<512x64xf32>
    %dot_general3A_23 = tpu.matmul %max3A_19, %get3A_22, %dot_general3A {dimension_numbers = #tpu.dot_dimension_numbers<[1], [0], [0], [1], [0, 0, 1, 1], [], []>, transpose_lhs_hint = false} : vector<512x128xf32>, vector<128x64xf32>, vector<512x64xf32> -> vector<512x64xf32>
    %mul3A_24 = vector.broadcast %get3A_1 : vector<512x1xf32> to vector<512x64xf32>
    %mul3A_25 = arith.mulf %dot_general3A_23, %mul3A_24 : vector<512x64xf32>
    %swap3A = arith.constant 0 : index
    %swap3A_26 = arith.constant 0 : index
    %swap3A_27 = vector.load %arg7[%swap3A, %swap3A_26] : memref<512x64xf32, #tpu.memory_space<vmem>>, vector<512x64xf32>
    tpu.vector_store %arg7[%swap3A, %swap3A_26], %mul3A_25 {strides = array<i32>} : memref<512x64xf32, #tpu.memory_space<vmem>>, vector<512x64xf32>,
    return
  }
  func.func @transform_0(%arg0: i32) -> (i32, i32) {
    %c0_i32 = arith.constant 0 : i32
    %c0_i32_0 = arith.constant 0 : i32
    return %arg0, %c0_i32 : i32, i32
  }
  func.func @transform_1(%arg0: i32) -> (i32, i32) {
    %c0_i32 = arith.constant 0 : i32
    %c0_i32_0 = arith.constant 0 : i32
    return %arg0, %c0_i32 : i32, i32
  }
  func.func @transform_2(%arg0: i32) -> (i32, i32) {
    %c0_i32 = arith.constant 0 : i32
    %c0_i32_0 = arith.constant 0 : i32
    return %arg0, %c0_i32 : i32, i32
  }
  func.func @transform_3(%arg0: i32) -> (i32, i32) {
    %c0_i32 = arith.constant 0 : i32
    %c0_i32_0 = arith.constant 0 : i32
    return %arg0, %c0_i32 : i32, i32
  }
  func.func @transform_4(%arg0: i32) -> (i32, i32) {
    %c0_i32 = arith.constant 0 : i32
    %c0_i32_0 = arith.constant 0 : i32
    %c0_i32_1 = arith.constant 0 : i32
    return %c0_i32, %c0_i32_0 : i32, i32
  }
  func.func @transform_5(%arg0: i32) -> (i32, i32) {
    %c0_i32 = arith.constant 0 : i32
    %c0_i32_0 = arith.constant 0 : i32
    %c0_i32_1 = arith.constant 0 : i32
    return %c0_i32, %c0_i32_0 : i32, i32
  }
  func.func @transform_6(%arg0: i32) -> (i32, i32) {
    %c0_i32 = arith.constant 0 : i32
    %c0_i32_0 = arith.constant 0 : i32
    return %arg0, %c0_i32 : i32, i32
  }
}

module attributes {stable_mosaic.version = 14 : i64} {
  func.func @_mid_body(%arg0: i32, %arg1: memref<512x64xf32, #tpu.memory_space<vmem>>, %arg2: memref<512x64xf32, #tpu.memory_space<vmem>>, %arg3: memref<512x64xf32, #tpu.memory_space<vmem>>, %arg4: memref<512x1xf32, #tpu.memory_space<vmem>>, %arg5: memref<1x64xf32, #tpu.memory_space<vmem>>, %arg6: memref<64x64xf32, #tpu.memory_space<vmem>>, %arg7: memref<512x64xf32, #tpu.memory_space<vmem>>) attributes {dimension_semantics = [#tpu.dimension_semantics<arbitrary>], iteration_bounds = array<i64: 20>, scalar_prefetch = 0 : i64, scratch_operands = 0 : i64, tpu.core_type = #tpu.core_type<tc>, window_params = [{transform_indices = @transform_0, window_bounds = array<i64: 512, 64>}, {transform_indices = @transform_1, window_bounds = array<i64: 512, 64>}, {transform_indices = @transform_2, window_bounds = array<i64: 512, 64>}, {transform_indices = @transform_3, window_bounds = array<i64: 512, 1>}, {pipeline_mode = #tpu.pipeline_mode<synchronous>, transform_indices = @transform_4, window_bounds = array<i64: 1, 64>}, {pipeline_mode = #tpu.pipeline_mode<synchronous>, transform_indices = @transform_5, window_bounds = array<i64: 64, 64>}, {transform_indices = @transform_6, window_bounds = array<i64: 512, 64>}]} {
    %get3A = arith.constant 0 : index
    %get3A_0 = arith.constant 0 : index
    %get3A_1 = vector.load %arg4[%get3A, %get3A_0] : memref<512x1xf32, #tpu.memory_space<vmem>>, vector<512x1xf32>
    %get3A_2 = arith.constant 0 : index
    %get3A_3 = arith.constant 0 : index
    %get3A_4 = vector.load %arg1[%get3A_2, %get3A_3] : memref<512x64xf32, #tpu.memory_space<vmem>>, vector<512x64xf32>
    %get3A_5 = arith.constant 0 : index
    %get3A_6 = arith.constant 0 : index
    %get3A_7 = vector.load %arg2[%get3A_5, %get3A_6] : memref<512x64xf32, #tpu.memory_space<vmem>>, vector<512x64xf32>
    %add3A = arith.addf %get3A_4, %get3A_7 : vector<512x64xf32>
    %get3A_8 = arith.constant 0 : index
    %get3A_9 = arith.constant 0 : index
    %get3A_10 = vector.load %arg3[%get3A_8, %get3A_9] : memref<512x64xf32, #tpu.memory_space<vmem>>, vector<512x64xf32>
    %add3A_11 = arith.addf %add3A, %get3A_10 : vector<512x64xf32>
    %mul3A = vector.broadcast %get3A_1 : vector<512x1xf32> to vector<512x64xf32>
    %mul3A_12 = arith.mulf %add3A_11, %mul3A : vector<512x64xf32>
    %get3A_13 = arith.constant 0 : index
    %get3A_14 = arith.constant 0 : index
    %get3A_15 = vector.load %arg5[%get3A_13, %get3A_14] : memref<1x64xf32, #tpu.memory_space<vmem>>, vector<1x64xf32>
    %add3A_16 = vector.broadcast %get3A_15 : vector<1x64xf32> to vector<512x64xf32>
    %add3A_17 = arith.addf %mul3A_12, %add3A_16 : vector<512x64xf32>
    %max3A = arith.constant 0.000000e+00 : f32
    %max3A_18 = vector.broadcast %max3A : f32 to vector<512x64xf32>
    %max3A_19 = arith.maximumf %add3A_17, %max3A_18 : vector<512x64xf32>
    %get3A_20 = arith.constant 0 : index
    %get3A_21 = arith.constant 0 : index
    %get3A_22 = vector.load %arg6[%get3A_20, %get3A_21] : memref<64x64xf32, #tpu.memory_space<vmem>>, vector<64x64xf32>
    %dot_general3A = arith.constant dense<0.000000e+00> : vector<512x64xf32>
    %dot_general3A_23 = tpu.matmul %max3A_19, %get3A_22, %dot_general3A {dimension_numbers = #tpu.dot_dimension_numbers<[1], [0], [0], [1], [0, 0, 1, 1], [], []>, transpose_lhs_hint = false} : vector<512x64xf32>, vector<64x64xf32>, vector<512x64xf32> -> vector<512x64xf32>
    %mul3A_24 = vector.broadcast %get3A_1 : vector<512x1xf32> to vector<512x64xf32>
    %mul3A_25 = arith.mulf %dot_general3A_23, %mul3A_24 : vector<512x64xf32>
    %swap3A = arith.constant 0 : index
    %swap3A_26 = arith.constant 0 : index
    %swap3A_27 = vector.load %arg7[%swap3A, %swap3A_26] : memref<512x64xf32, #tpu.memory_space<vmem>>, vector<512x64xf32>
    tpu.vector_store %arg7[%swap3A, %swap3A_26], %mul3A_25 {strides = array<i32>} : memref<512x64xf32, #tpu.memory_space<vmem>>, vector<512x64xf32>,
    return
  }
  func.func @transform_0(%arg0: i32) -> (i32, i32) {
    %c0_i32 = arith.constant 0 : i32
    %c0_i32_0 = arith.constant 0 : i32
    return %arg0, %c0_i32 : i32, i32
  }
  func.func @transform_1(%arg0: i32) -> (i32, i32) {
    %c0_i32 = arith.constant 0 : i32
    %c0_i32_0 = arith.constant 0 : i32
    return %arg0, %c0_i32 : i32, i32
  }
  func.func @transform_2(%arg0: i32) -> (i32, i32) {
    %c0_i32 = arith.constant 0 : i32
    %c0_i32_0 = arith.constant 0 : i32
    return %arg0, %c0_i32 : i32, i32
  }
  func.func @transform_3(%arg0: i32) -> (i32, i32) {
    %c0_i32 = arith.constant 0 : i32
    %c0_i32_0 = arith.constant 0 : i32
    return %arg0, %c0_i32 : i32, i32
  }
  func.func @transform_4(%arg0: i32) -> (i32, i32) {
    %c0_i32 = arith.constant 0 : i32
    %c0_i32_0 = arith.constant 0 : i32
    %c0_i32_1 = arith.constant 0 : i32
    return %c0_i32, %c0_i32_0 : i32, i32
  }
  func.func @transform_5(%arg0: i32) -> (i32, i32) {
    %c0_i32 = arith.constant 0 : i32
    %c0_i32_0 = arith.constant 0 : i32
    %c0_i32_1 = arith.constant 0 : i32
    return %c0_i32, %c0_i32_0 : i32, i32
  }
  func.func @transform_6(%arg0: i32) -> (i32, i32) {
    %c0_i32 = arith.constant 0 : i32
    %c0_i32_0 = arith.constant 0 : i32
    return %arg0, %c0_i32 : i32, i32
  }
}

module attributes {stable_mosaic.version = 14 : i64} {
  func.func @_post_body(%arg0: i32, %arg1: memref<512x64xf32, #tpu.memory_space<vmem>>, %arg2: memref<512x64xf32, #tpu.memory_space<vmem>>, %arg3: memref<512x64xf32, #tpu.memory_space<vmem>>, %arg4: memref<512x1xf32, #tpu.memory_space<vmem>>, %arg5: memref<1x64xf32, #tpu.memory_space<vmem>>, %arg6: memref<1x1x512xi32, #tpu.memory_space<vmem>>, %arg7: memref<128x64xf32, #tpu.memory_space<vmem>>, %arg8: memref<128x64xf32, #tpu.memory_space<vmem>>, %arg9: memref<128x1xf32, #tpu.memory_space<vmem>>) attributes {dimension_semantics = [#tpu.dimension_semantics<arbitrary>], iteration_bounds = array<i64: 20>, scalar_prefetch = 0 : i64, scratch_operands = 2 : i64, tpu.core_type = #tpu.core_type<tc>, window_params = [{transform_indices = @transform_0, window_bounds = array<i64: 512, 64>}, {transform_indices = @transform_1, window_bounds = array<i64: 512, 64>}, {transform_indices = @transform_2, window_bounds = array<i64: 512, 64>}, {transform_indices = @transform_3, window_bounds = array<i64: 512, 1>}, {pipeline_mode = #tpu.pipeline_mode<synchronous>, transform_indices = @transform_4, window_bounds = array<i64: 1, 64>}, {transform_indices = @transform_5, window_bounds = array<i64: 1, 1, 512>}, {pipeline_mode = #tpu.pipeline_mode<synchronous>, transform_indices = @transform_6, window_bounds = array<i64: 128, 64>}]} {
    %eq3A = arith.constant 0 : i32
    %eq3A_0 = arith.cmpi eq, %arg0, %eq3A : i32
    %convert_element_type3A = arith.extui %eq3A_0 : i1 to i32
    %cond3A = arith.constant 0 : i32
    %cond3A_1 = arith.cmpi ne, %convert_element_type3A, %cond3A : i32
    scf.if %cond3A_1 {
      %broadcast_in_dim3A_52 = arith.constant 0.000000e+00 : f32
      %broadcast_in_dim3A_53 = vector.broadcast %broadcast_in_dim3A_52 : f32 to vector<128x64xf32>
      %swap3A_54 = arith.constant 0 : index
      %swap3A_55 = arith.constant 0 : index
      %swap3A_56 = vector.load %arg8[%swap3A_54, %swap3A_55] : memref<128x64xf32, #tpu.memory_space<vmem>>, vector<128x64xf32>
      tpu.vector_store %arg8[%swap3A_54, %swap3A_55], %broadcast_in_dim3A_53 {strides = array<i32>} : memref<128x64xf32, #tpu.memory_space<vmem>>, vector<128x64xf32>,
      %broadcast_in_dim3A_57 = arith.constant 0.000000e+00 : f32
      %broadcast_in_dim3A_58 = vector.broadcast %broadcast_in_dim3A_57 : f32 to vector<128x1xf32>
      %swap3A_59 = arith.constant 0 : index
      %swap3A_60 = arith.constant 0 : index
      %swap3A_61 = vector.load %arg9[%swap3A_59, %swap3A_60] : memref<128x1xf32, #tpu.memory_space<vmem>>, vector<128x1xf32>
      tpu.vector_store %arg9[%swap3A_59, %swap3A_60], %broadcast_in_dim3A_58 {strides = array<i32>} : memref<128x1xf32, #tpu.memory_space<vmem>>, vector<128x1xf32>,
    } else {
    }
    %get3A = arith.constant 0 : index
    %get3A_2 = arith.constant 0 : index
    %get3A_3 = vector.load %arg4[%get3A, %get3A_2] : memref<512x1xf32, #tpu.memory_space<vmem>>, vector<512x1xf32>
    %get3A_4 = arith.constant 0 : index
    %get3A_5 = arith.constant 0 : index
    %get3A_6 = vector.load %arg1[%get3A_4, %get3A_5] : memref<512x64xf32, #tpu.memory_space<vmem>>, vector<512x64xf32>
    %get3A_7 = arith.constant 0 : index
    %get3A_8 = arith.constant 0 : index
    %get3A_9 = vector.load %arg2[%get3A_7, %get3A_8] : memref<512x64xf32, #tpu.memory_space<vmem>>, vector<512x64xf32>
    %add3A = arith.addf %get3A_6, %get3A_9 : vector<512x64xf32>
    %get3A_10 = arith.constant 0 : index
    %get3A_11 = arith.constant 0 : index
    %get3A_12 = vector.load %arg3[%get3A_10, %get3A_11] : memref<512x64xf32, #tpu.memory_space<vmem>>, vector<512x64xf32>
    %add3A_13 = arith.addf %add3A, %get3A_12 : vector<512x64xf32>
    %mul3A = vector.broadcast %get3A_3 : vector<512x1xf32> to vector<512x64xf32>
    %mul3A_14 = arith.mulf %add3A_13, %mul3A : vector<512x64xf32>
    %get3A_15 = arith.constant 0 : index
    %get3A_16 = arith.constant 0 : index
    %get3A_17 = vector.load %arg5[%get3A_15, %get3A_16] : memref<1x64xf32, #tpu.memory_space<vmem>>, vector<1x64xf32>
    %add3A_18 = vector.broadcast %get3A_17 : vector<1x64xf32> to vector<512x64xf32>
    %add3A_19 = arith.addf %mul3A_14, %add3A_18 : vector<512x64xf32>
    %max3A = arith.constant 0.000000e+00 : f32
    %max3A_20 = vector.broadcast %max3A : f32 to vector<512x64xf32>
    %max3A_21 = arith.maximumf %add3A_19, %max3A_20 : vector<512x64xf32>
    %get3A_22 = arith.constant 0 : index
    %get3A_23 = arith.constant 0 : index
    %get3A_24 = arith.constant 0 : index
    %get3A_25 = vector.load %arg6[%get3A_22, %get3A_23, %get3A_24] : memref<1x1x512xi32, #tpu.memory_space<vmem>>, vector<1x1x512xi32>
    %get3A_26 = vector.shape_cast %get3A_25 : vector<1x1x512xi32> to vector<1x512xi32>
    %iota3A = tpu.iota {dimensions = array<i32: 0>} : vector<128x512xi32>
    %broadcast_in_dim3A = vector.shape_cast %get3A_26 : vector<1x512xi32> to vector<1x512xi32>
    %broadcast_in_dim3A_27 = vector.broadcast %broadcast_in_dim3A : vector<1x512xi32> to vector<128x512xi32>
    %eq3A_28 = arith.cmpi eq, %broadcast_in_dim3A_27, %iota3A : vector<128x512xi32>
    %convert_element_type3A_29 = arith.extui %eq3A_28 : vector<128x512xi1> to vector<128x512xi32>
    %convert_element_type3A_30 = arith.sitofp %convert_element_type3A_29 : vector<128x512xi32> to vector<128x512xf32>
    %get3A_31 = arith.constant 0 : index
    %get3A_32 = arith.constant 0 : index
    %get3A_33 = vector.load %arg8[%get3A_31, %get3A_32] : memref<128x64xf32, #tpu.memory_space<vmem>>, vector<128x64xf32>
    %dot_general3A = arith.constant dense<0.000000e+00> : vector<128x64xf32>
    %dot_general3A_34 = tpu.matmul %convert_element_type3A_30, %max3A_21, %dot_general3A {dimension_numbers = #tpu.dot_dimension_numbers<[1], [0], [0], [1], [0, 0, 1, 1], [], []>, transpose_lhs_hint = false} : vector<128x512xf32>, vector<512x64xf32>, vector<128x64xf32> -> vector<128x64xf32>
    %add3A_35 = arith.addf %get3A_33, %dot_general3A_34 : vector<128x64xf32>
    %swap3A = arith.constant 0 : index
    %swap3A_36 = arith.constant 0 : index
    %swap3A_37 = vector.load %arg8[%swap3A, %swap3A_36] : memref<128x64xf32, #tpu.memory_space<vmem>>, vector<128x64xf32>
    tpu.vector_store %arg8[%swap3A, %swap3A_36], %add3A_35 {strides = array<i32>} : memref<128x64xf32, #tpu.memory_space<vmem>>, vector<128x64xf32>,
    %get3A_38 = arith.constant 0 : index
    %get3A_39 = arith.constant 0 : index
    %get3A_40 = vector.load %arg9[%get3A_38, %get3A_39] : memref<128x1xf32, #tpu.memory_space<vmem>>, vector<128x1xf32>
    %reduce_sum3A = arith.constant dense<0.000000e+00> : vector<128xf32>
    %reduce_sum3A_41 = vector.multi_reduction <add>, %convert_element_type3A_30, %reduce_sum3A [1] : vector<128x512xf32> to vector<128xf32>
    %broadcast_in_dim3A_42 = vector.shape_cast %reduce_sum3A_41 : vector<128xf32> to vector<128x1xf32>
    %add3A_43 = arith.addf %get3A_40, %broadcast_in_dim3A_42 : vector<128x1xf32>
    %swap3A_44 = arith.constant 0 : index
    %swap3A_45 = arith.constant 0 : index
    %swap3A_46 = vector.load %arg9[%swap3A_44, %swap3A_45] : memref<128x1xf32, #tpu.memory_space<vmem>>, vector<128x1xf32>
    tpu.vector_store %arg9[%swap3A_44, %swap3A_45], %add3A_43 {strides = array<i32>} : memref<128x1xf32, #tpu.memory_space<vmem>>, vector<128x1xf32>,
    %eq3A_47 = arith.constant 19 : i32
    %eq3A_48 = arith.cmpi eq, %arg0, %eq3A_47 : i32
    %convert_element_type3A_49 = arith.extui %eq3A_48 : i1 to i32
    %cond3A_50 = arith.constant 0 : i32
    %cond3A_51 = arith.cmpi ne, %convert_element_type3A_49, %cond3A_50 : i32
    scf.if %cond3A_51 {
      %get3A_52 = arith.constant 0 : index
      %get3A_53 = arith.constant 0 : index
      %get3A_54 = vector.load %arg8[%get3A_52, %get3A_53] : memref<128x64xf32, #tpu.memory_space<vmem>>, vector<128x64xf32>
      %get3A_55 = arith.constant 0 : index
      %get3A_56 = arith.constant 0 : index
      %get3A_57 = vector.load %arg9[%get3A_55, %get3A_56] : memref<128x1xf32, #tpu.memory_space<vmem>>, vector<128x1xf32>
      %max3A_58 = arith.constant 1.000000e+00 : f32
      %max3A_59 = vector.broadcast %max3A_58 : f32 to vector<128x1xf32>
      %max3A_60 = arith.maximumf %get3A_57, %max3A_59 : vector<128x1xf32>
      %div3A = vector.broadcast %max3A_60 : vector<128x1xf32> to vector<128x64xf32>
      %div3A_61 = arith.divf %get3A_54, %div3A : vector<128x64xf32>
      %swap3A_62 = arith.constant 0 : index
      %swap3A_63 = arith.constant 0 : index
      %swap3A_64 = vector.load %arg7[%swap3A_62, %swap3A_63] : memref<128x64xf32, #tpu.memory_space<vmem>>, vector<128x64xf32>
      tpu.vector_store %arg7[%swap3A_62, %swap3A_63], %div3A_61 {strides = array<i32>} : memref<128x64xf32, #tpu.memory_space<vmem>>, vector<128x64xf32>,
    } else {
    }
    return
  }
  func.func @transform_0(%arg0: i32) -> (i32, i32) {
    %c0_i32 = arith.constant 0 : i32
    %c0_i32_0 = arith.constant 0 : i32
    return %arg0, %c0_i32 : i32, i32
  }
  func.func @transform_1(%arg0: i32) -> (i32, i32) {
    %c0_i32 = arith.constant 0 : i32
    %c0_i32_0 = arith.constant 0 : i32
    return %arg0, %c0_i32 : i32, i32
  }
  func.func @transform_2(%arg0: i32) -> (i32, i32) {
    %c0_i32 = arith.constant 0 : i32
    %c0_i32_0 = arith.constant 0 : i32
    return %arg0, %c0_i32 : i32, i32
  }
  func.func @transform_3(%arg0: i32) -> (i32, i32) {
    %c0_i32 = arith.constant 0 : i32
    %c0_i32_0 = arith.constant 0 : i32
    return %arg0, %c0_i32 : i32, i32
  }
  func.func @transform_4(%arg0: i32) -> (i32, i32) {
    %c0_i32 = arith.constant 0 : i32
    %c0_i32_0 = arith.constant 0 : i32
    %c0_i32_1 = arith.constant 0 : i32
    return %c0_i32, %c0_i32_0 : i32, i32
  }
  func.func @transform_5(%arg0: i32) -> (i32, i32, i32) {
    %c0_i32 = arith.constant 0 : i32
    %c0_i32_0 = arith.constant 0 : i32
    %c0_i32_1 = arith.constant 0 : i32
    return %arg0, %c0_i32, %c0_i32_0 : i32, i32, i32
  }
  func.func @transform_6(%arg0: i32) -> (i32, i32) {
    %c0_i32 = arith.constant 0 : i32
    %c0_i32_0 = arith.constant 0 : i32
    %c0_i32_1 = arith.constant 0 : i32
    return %c0_i32, %c0_i32_0 : i32, i32
  }
}

</mosaic_0001>

<sc_bundles>
// kernel: kernel.10.cloned.1.call-start
scs
__scs_entry_jumppad:
0x0: {  	(pc) =	sbr.rel $0x88, $3  }
0x1: {  	(tag) =	ssettag $0x0;
	lr =	simm.s32 $0x1  }
0x2: {  	[smem:$0x3F98] =	sst lr;
	_ =	strace $0xD0000000  }
0x3: {  	_ = 	snop  }
0x4: {  	_ = 	snop  }
0x5: {  	_ = 	snop  }
0x6: {  	_ = 	snop  }
0x7: {  	_ = 	snop  }
__scs_overlays_trampoline_lowered:
0x8: {  	[smem:$0x3FA7] =	sst s0  }
0x9: {  	[smem:$0x3FA8] =	sst s1  }
0xa: {  	[smem:$0x3FA9] =	sst s2  }
0xb: {  	[smem:$0x3FAA] =	sst s3  }
0xc: {  	[smem:$0x3FAB] =	sst s4  }
0xd: {  	[smem:$0x3FAC] =	sst s5  }
0xe: {  	[smem:$0x3FAD] =	sst s6  }
0xf: {  	[smem:$0x3FAE] =	sst s7  }
0x10: {  	[smem:$0x3FAF] =	sst s8  }
0x11: {  	[smem:$0x3FB0] =	sst s9;
	s0 =	simm.s32 @!p0 $0x0  }
0x12: {  	s1 =	sld [smem:$0x3F96];
	s0 =	simm.s32 @p0 $0x1  }
0x13: {  	[smem:$0x3FB1] =	sst s0;
	s0 =	simm.s32 @!p1 $0x0  }
0x14: {  	s2 =	sld [smem:$0x3F95];
	s0 =	simm.s32 @p1 $0x1  }
0x15: {  	[smem:$0x3FB2] =	sst s0;
	s0 =	simm.s32 @!p2 $0x0  }
0x16: {  	s3 =	sld [smem:$0x3FDB];
	s0 =	simm.s32 @p2 $0x1  }
0x17: {  	s4 =	simm.s32 $0x1BF5;
	[smem:$0x3FB4] =	sst s0  }
0x18: {  	s0 =	sld [smem:$0x3F97];
	_ =	swait.ge [sflag:s4], $0x0  }
0x19: {  	s7 =	sld [smem:$0x3F98]  }
0x1a: {  	s8 =	sadd.s32 $0xFFFFE003, lr  }
0x1b: {  	s9 =	sadd.s32 $0xFFFFFEF7, lr;
	s5 =	simm.s32 $0xFFFFFFFF;
	p2 =	slt.u32 s8, $0xFFFFF086  }
0x1c: {  	p1 =	slt.u32 s9, $0xF7A;
	s5 =	simm.s32 @!p2 $0x0  }
0x1d: {  	s5 =	simm.s32 @p1 $0x1;
	p0 =	seq.s32 s7, s2  }
0x1e: {  	s7 =	smul.u32 @!p0 $0xF7A, s2;
	p2 =	seq.s32 @!p0 s5, $0x0  }
0x1f: {  	s9 =	smul.u32 $0xF7A, s1;
	s8 =	simm.s32 @!p0 $0x1BF5;
	p2 =	por !p2, p0  }
0x20: {  	[sflag:s8] =	ssyncset.s32 @!p0 $0xFFFFF086;
	s6 =	sadd.s32 @!p0 s3, s7;
	s7 =	simm.s32 @!p0 $0x108  }
0x21: {  	s3 =	sadd.s32 s3, s9;
	s6 =	sadd.s32 @!p0 $0x88, s6;
	s7 =	simm.s32 @p2 $0x1082  }
0x22: {  	[simem:s7], [sflag:s8] =	dma.local @!p0 [hbm:s6], $0xF7A  }
0x23: {  	s9 =	sor.u32 $0xD0000000, s2;
	s6 =	simm.s32 $0x108;
	_ =	swait.ge @!p0 [sflag:s8], $0x0  }
0x24: {  	s3 =	sadd.s32 $0x88, s3;
	s6 =	simm.s32 @!p1 $0x1082;
	[sflag:s4] =	ssyncset.s32 $0xFFFFF086  }
0x25: {  	[simem:s6], [sflag:s4] =	dma.local [hbm:s3], $0xF7A  }
0x26: {  	[smem:$0x3F98] =	sst s1;
	(tag) =	ssettag s2;
	_ =	strace s9  }
0x27: {  	s1 =	sld [smem:$0x3FA8]  }
0x28: {  	s2 =	sld [smem:$0x3FA9]  }
0x29: {  	s4 =	sld [smem:$0x3FAB]  }
0x2a: {  	p0 =	seq.s32 s5, $0x0;
	s5 =	sld [smem:$0x3FAC]  }
0x2b: {  	s6 =	sld [smem:$0x3FAD]  }
0x2c: {  	s7 =	sld [smem:$0x3FAE]  }
0x2d: {  	s3 =	simm.s32 $0x108;
	s8 =	sld [smem:$0x3FAF]  }
0x2e: {  	s3 =	simm.s32 @!p0 $0x1082;
	s9 =	sld [smem:$0x3FB0]  }
0x2f: {  	lr =	sadd.s32 s0, s3;
	s0 =	sld [smem:$0x3FA7]  }
0x30: {  	s3 =	sld [smem:$0x3FAA]  }
0x31: {  	[smem:$0x3FB3] =	sst s10  }
0x32: {  	s10 =	sld [smem:$0x3FB1];
	_ =	sdelay $0x3  }
0x33: {  	p0 =	seq.s32 s10, $0x1;
	s10 =	sld [smem:$0x3FB3];
	_ =	sdelay $0x3  }
0x34: {  	[smem:$0x3FB3] =	sst s10  }
0x35: {  	s10 =	sld [smem:$0x3FB2];
	_ =	sdelay $0x3  }
0x36: {  	p1 =	seq.s32 s10, $0x1;
	s10 =	sld [smem:$0x3FB3];
	_ =	sdelay $0x3  }
0x37: {  	[smem:$0x3FB3] =	sst s10  }
0x38: {  	s10 =	sld [smem:$0x3FB4]  }
0x39: {  	_ = 	snop;
	(pc) =	sbr.ind lr, $3  }
0x3a: {  	_ = 	snop  }
0x3b: {  	_ = 	snop  }
0x3c: {  	p2 =	seq.s32 s10, $0x1;
	s10 =	sld [smem:$0x3FB3]  }
0x3d: {  	_ =	shalt  }
0x3e: {  	_ =	shalt  }
0x3f: {  	_ =	shalt  }
0x40: {  	_ =	shalt  }
0x41: {  	_ =	shalt  }
0x42: {  	_ =	shalt  }
0x43: {  	_ =	shalt  }
0x44: {  	_ =	shalt  }
0x45: {  	_ =	shalt  }
0x46: {  	_ =	shalt  }
0x47: {  	_ =	shalt  }
0x48: {  	_ =	shalt  }
0x49: {  	_ =	shalt  }
0x4a: {  	_ =	shalt  }
0x4b: {  	_ =	shalt  }
0x4c: {  	_ =	shalt  }
0x4d: {  	_ =	shalt  }
0x4e: {  	_ =	shalt  }
0x4f: {  	_ =	shalt  }
0x50: {  	_ =	shalt  }
0x51: {  	_ =	shalt  }
0x52: {  	_ =	shalt  }
0x53: {  	_ =	shalt  }
0x54: {  	_ =	shalt  }
0x55: {  	_ =	shalt  }
0x56: {  	_ =	shalt  }
0x57: {  	_ =	shalt  }
0x58: {  	_ =	shalt  }
0x59: {  	_ =	shalt  }
0x5a: {  	_ =	shalt  }
0x5b: {  	_ =	shalt  }
0x5c: {  	_ =	shalt  }
0x5d: {  	_ =	shalt  }
0x5e: {  	_ =	shalt  }
0x5f: {  	_ =	shalt  }
0x60: {  	_ =	shalt  }
0x61: {  	_ =	shalt  }
0x62: {  	_ =	shalt  }
0x63: {  	_ =	shalt  }
0x64: {  	_ =	shalt  }
0x65: {  	_ =	shalt  }
0x66: {  	_ =	shalt  }
0x67: {  	_ =	shalt  }
0x68: {  	_ =	shalt  }
0x69: {  	_ =	shalt  }
0x6a: {  	_ =	shalt  }
0x6b: {  	_ =	shalt  }
0x6c: {  	_ =	shalt  }
0x6d: {  	_ =	shalt  }
0x6e: {  	_ =	shalt  }
0x6f: {  	_ =	shalt  }
0x70: {  	_ =	shalt  }
0x71: {  	_ =	shalt  }
0x72: {  	_ =	shalt  }
0x73: {  	_ =	shalt  }
0x74: {  	_ =	shalt  }
0x75: {  	_ =	shalt  }
0x76: {  	_ =	shalt  }
0x77: {  	_ =	shalt  }
0x78: {  	_ =	shalt  }
0x79: {  	_ =	shalt  }
0x7a: {  	_ =	shalt  }
0x7b: {  	_ =	shalt  }
0x7c: {  	_ =	shalt  }
0x7d: {  	_ =	shalt  }
0x7e: {  	_ =	shalt  }
0x7f: {  	_ =	shalt  }
0x80: {  	_ =	shalt  }
0x81: {  	_ =	shalt  }
0x82: {  	_ =	shalt  }
0x83: {  	_ =	shalt  }
0x84: {  	_ =	shalt  }
0x85: {  	_ =	shalt  }
0x86: {  	_ =	shalt  }
0x87: {  	_ =	shalt  }
.Lfunc_end0:
.L_simem_size_0:
called_computation_lowered:
.L_overlay_start_0:
0x88: {  	s2 =	sld [smem:$0x3FD9]  }
0x89: {  	s3 =	sld [smem:$0x3FFE];
	_ =	sdelay $0x1  }
0x8a: {  	s1 =	srdreg.scid  }
0x8b: {  	s0 =	sand.u32 $0x1, s1  }
0x8c: {  	s16 =	sshll.u32 s0, $0xA;
	s2 =	sadd.s32 s3, s2  }
0x8d: {  	s2 =	sadd.s32 s2, s16  }
0x8e: {  	[smem:$0x3FBF] =	sst s2  }
0x8f: {  	_ = 	snop  }
0x90: {  	(tm) =	ssettm $0x1  }
0x91: {  	s17 =	sld [smem:$0x3FFB];
	_ =	sdelay $0x3  }
0x92: {  	_ =	strace s17  }
0x93: {  	s2 =	sld [smem:$0x3FFC];
	_ =	sdelay $0x3  }
0x94: {  	_ =	strace s2  }
0x95: {  	s2 =	sld [smem:$0x3FFD];
	_ =	sdelay $0x3  }
0x96: {  	_ =	strace s2  }
0x97: {  	_ =	strace $0x8FFFFFFF  }
0x98: {  	s18 =	sld [smem:$0x3FDB];
	_ =	sdelay $0x1  }
0x99: {  	s19 =	simm.s32 $_scs_section_size  }
0x9a: {  	s4 =	simm.s32 $_size__tile_overlayer_lowered;
	s5 =	simm.s32 $_tile_overlayer_lowered  }
0x9b: {  	s22 =	simm.s32 $0x1BFF;
	s21 =	sshll.u32 s5, $0x1;
	s2 =	sadd.s32 s19, s18  }
0x9c: {  	s6 =	simm.s32 $0x0;
	s20 =	sshll.u32 s4, $0x1;
	s4 =	sadd.s32 s21, s2  }
0x9d: {  	[timem:s6], [sflag:s22] =	dma.local [hbm:s4], s20  }
0x9e: {  	_ =	swait.ge [sflag:s22], s20  }
0x9f: {  	s3 =	ssub.s32 $0x0, s20;
	[sflag:s22] =	ssyncset.done $0x0  }
0xa0: {  	[sflag:s22] =	ssyncadd.s32 s3;
	_ =	sdelay $0x1  }
0xa1: {  	s23 =	simm.s32 $0x1B8B  }
0xa2: {  	_ =	swait.ge [sflag:s23], $0x1  }
0xa3: {  	[sflag:s23] =	ssyncset.done $0x0  }
0xa4: {  	s25 =	simm.s32 $0x1B8E;
	s24 =	sld [smem:$0x3FFE];
	[sflag:s23] =	ssyncadd.s32 $0xFFFFFFFF  }
0xa5: {  	s26 =	simm.s32 $execute0_lowered;
	[smem:$0x3FD2] =	sst s25  }
0xa6: {  	s4 =	sshll.u32 s26, $0x1;
	_ =	strace $0x80000046;
	[dreg:$0x1] =	wrdreg $0xFFFFFFFF  }
0xa7: {  	s28 =	simm.s32 $_size_execute0_lowered;
	s2 =	sadd.s32 s2, s4;
	[dreg:$0x0] =	wrdreg $0x0  }
0xa8: {  	s4 =	sshll.u32 s28, $0x1;
	[dreg:$0x2] =	wrdreg s2  }
0xa9: {  	[dreg:$0x3] =	wrdreg s4  }
0xaa: {  	[dreg:$0x4] =	wrdreg $0xC0  }
0xab: {  	_ =	task [dreg:s6], $0x5FFFF  }
0xac: {  	[dreg:$0x1] =	wrdreg $0xFFFFFFFF  }
0xad: {  	[dreg:$0x0] =	wrdreg $0x60  }
0xae: {  	[dreg:$0x2] =	wrdreg s24  }
0xaf: {  	[dreg:$0x3] =	wrdreg $0x68000  }
0xb0: {  	[dreg:$0x4] =	wrdreg $0x9  }
0xb1: {  	_ =	task.clear_ibuf [dreg:s6], $0x5FFFF;
	_ =	strace $0x90000046  }
0xb2: {  	s29 =	simm.s32 $0x9;
	_ =	strace $0x80000048  }
0xb3: {  	_ =	swait.ge [sflag:s29], $0x1  }
0xb4: {  	[sflag:s29] =	ssyncadd.s32 $0xFFFFFFFF  }
0xb5: {  	_ =	strace $0x90000048  }
0xb6: {  	_ =	sfence  }
0xb7: {  	s30 =	sld [smem:$0x0];
	_ =	sdelay $0x2  }
0xb8: {  	s31 =	sshll.u32 s1, $0xD;
	s1 =	sshrl.u32 s1, $0x2  }
0xb9: {  	s3 =	sand.u32 $0x4000, s31;
	s1 =	sadd.s32 s1, s30  }
0xba: {  	s0 =	sor.u32 s3, s0;
	s1 =	sshll.u32 s1, $0x11  }
0xbb: {  	s0 =	sor.u32 s1, s0  }
0xbc: {  	s0 =	sadd.s32 $0x8F2B, s0  }
0xbd: {  	[sflag:s0] =	ssyncadd.remote.s32 $0x1  }
0xbe: {  	_ =	sfence.sel $0xFFFF  }
0xbf: {  	[dreg:$0x0] =	wrdreg $0xFFFFFFFF;
	(pc) =	sbr.abs _section_cstart, $3  }
0xc0: {  	[dreg:$0x1] =	wrdreg $0xFFFFFFFF  }
0xc1: {  	_ =	task.clear_ibuf [dreg:s6], $0x2FFFF;
	_ =	strace $0x9FFFFFFF  }
0xc2: {  	(tm) =	ssettm $0x7FFFFFFF  }
0xc3: {  	_ =	shalt  }
tec
execute0_lowered:
.L_overlay_start_1:
0x0: {  	(tag) =	ssettag $0x1  }
0x1: {  	s0 =	srdreg.scid;
	s4 =	rddreg [dreg:$0x0]  }
0x2: {  	s2 =	rddreg [dreg:$0x1];
	s5 =	sand.u32 $0x1, s0  }
0x3: {  	s0 =	stileid.u32;
	s6 =	smul.u32 $0x28000, s5  }
0x4: {  	s1 =	rddreg [dreg:$0x2];
	s7 =	smul.u32 $0x2800, s0  }
0x5: {  	s3 =	simm.s32 $0x0;
	s12 =	simm.s32 $0x2800;
	s28 =	smul.u32 $0x14000, s0  }
0x6: {  	s13 =	simm.s32 $0x0;
	[smem:$0x7FF] =	sst s3;
	s8 =	smul.u32 $0x140000, s5  }
0x7: {  	_ =	strace $0x80000047;
	s5 =	ssub.s32 $0x2, s5;
	s29 =	smul.u32 $0x50000, s0  }
0x8: {  	s31 =	sshll.u32 s0, $0x6;
	s10 =	sshrl.u32 s5, $0x1;
	s6 =	sadd.s32 s7, s6  }
0x9: {  	s9 =	sshrl.u32 s28, $0x3;
	s7 =	sadd.s32 s28, s8;
	s10 =	ssub.s32 s5, s10  }
0xa: {  	s30 =	sshrl.u32 s29, $0x2;
	s8 =	simm.s32 $0x1;
	s6 =	sshrl.u32 s6, $0x3  }
0xb: {  	s9 =	sadd.s32 s9, s4;
	s7 =	sshrl.u32 s7, $0x3;
	s11 =	sadd.s32 s30, s2  }
0xc: {  	s6 =	sadd.s32 s6, s4;
	s7 =	sadd.s32 s7, s4;
	s5 =	sadd.s32 $0x17600, s9  }
0xd: {  	s9 =	sor.u32 $0x1C01, s31;
	s4 =	sadd.s32 $0xD600, s6;
	s6 =	sadd.s32 $0x3F600, s7  }
0xe: {  	v0 =	vimm.f32 $1.000000000e+00;
	s7 =	smax.u32 s10, $0x1;
	s10 =	sshrl.u32 s11, $0x3;
	s11 =	simm.s32 $0x80  }
.LBB2_1:
0xf: {  	[tilespmem:s3], [sflag:$0x1] =	stream.linear.gather [hbm4b:s4+s3], $0x2780, $0x38;
	[tilespmem:$0x9000] =	vst v63  }
0x10: {  	_ =	swait.ge [sflag:s8], $0x2780  }
0x11: {  	[sflag:s8] =	ssyncset.done $0x0  }
0x12: {  	s14 =	simm.s32 $0x200;
	s15 =	simm.s32 $0x0;
	[sflag:s8] =	ssyncadd.s32 $0xFFFFD880  }
.LBB2_2:
0x13: {  	p0 =	sne.s32 s14, $0xFE00;
	[tilespmem:s15+$0x2800] =	vst v0;
	s15 =	smov.u32 s14;
	s14 =	sadd.s32 $0x200, s14  }
.Ltmp0:
0x14: {  	(pc) =	sbr.rel @p0 .LBB2_2-.Ltmp0, $2  }
0x15: {  	_ =	sdelay $0x2  }
0x16: {  	s15 =	sshra.s32 s15, $0x2  }
0x17: {  	[tilespmem:s15+$0x2800] =	vst v0  }
0x18: {  	[spmem:s10], [sflag:s9] =	dma.local [hbm:s5], $0x2800  }
0x19: {  	_ =	swait.ge [sflag:s8], $0x2800  }
0x1a: {  	[sflag:s8] =	ssyncset.done $0x0  }
0x1b: {  	[sflag:s8] =	ssyncadd.s32 $0xFFFFD800  }
0x1c: {  	s14 =	simm.s32 $0x0;
	[bflag:$0x0] =	sbarrier.arrive $0xFFFF  }
0x1d: {  	[spmem:s2] =	stream.indirect.scatter.add.f32 [tilespmem:s12], [sflag:$0x1], $0x10, s14, s11, $0xb8;
	[tilespmem:$0x9000] =	vst v63  }
0x1e: {  	_ =	swait.ge [sflag:s8], $0x800  }
0x1f: {  	s14 =	simm.s32 $0x200;
	[sflag:s8] =	ssyncset.done $0x0  }
.LBB2_4:
0x20: {  	s15 =	sshra.s32 s14, $0x2;
	[sflag:s8] =	ssyncadd.s32 $0xFFFFF800;
	p0 =	sne.s32 s14, $0x9C00  }
0x21: {  	[spmem:s2] =	stream.indirect.scatter.add.f32 [tilespmem:s12], [sflag:$0x1], $0x10, s15, s11, $0xb8;
	[tilespmem:$0x9000] =	vst v63  }
.Ltmp1:
0x22: {  	_ = 	snop;
	(pc) =	sbr.rel @p0 .LBB2_4-.Ltmp1, $4  }
0x23: {  	_ = 	snop  }
0x24: {  	s14 =	sadd.s32 $0x200, s14  }
0x25: {  	_ =	swait.ge [sflag:s8], $0x800  }
0x26: {  	[sflag:s8] =	ssyncset.done $0x0  }
0x27: {  	s13 =	sadd.s32 $0x1, s13  }
0x28: {  	[sflag:s8] =	ssyncadd.s32 $0xFFFFF800;
	p0 =	sne.s32 s13, s7  }
.Ltmp2:
0x29: {  	[bflag:$0x0] =	sbarrier.arrive $0xFFFF;
	(pc) =	sbr.rel @p0 .LBB2_1-.Ltmp2, $4  }
0x2a: {  	[hbm:s6], [sflag:s9] =	dma.local [spmem:s10], $0x2800  }
0x2b: {  	_ =	swait.ge [sflag:s8], $0x2800  }
0x2c: {  	[sflag:s8] =	ssyncset.done $0x0  }
0x2d: {  	[sflag:s8] =	ssyncadd.s32 $0xFFFFD800  }
0x2e: {  	_ =	sfence.sel $0x180000  }
0x2f: {  	[bflag:$0x0] =	sbarrier.arrive $0xFFFF  }
0x30: {  	p0 =	sne.s32 s0, $0x0;
	_ =	strace $0x90000047  }
0x31: {  	s0 =	sadd.s32 @!p0 $0x100000, s1;
	[bflag:$0x2] =	sbarrier.arrive $0xFFFF  }
0x32: {  	[sflag:s0] =	ssyncadd.tile.s32 @!p0 $0x1;
	_ =	shalt  }
.Lfunc_end2:
_tile_overlayer_lowered:
.L_overlay_start_2:
0x33: {  	(tag) =	ssettag $0x2  }
0x34: {  	s0 =	rddreg [dreg:$0x0];
	s2 =	stileid.u32  }
0x35: {  	s1 =	rddreg [dreg:$0x1];
	p0 =	sne.s32 s2, $0x0  }
0x36: {  	s3 =	rddreg [dreg:$0x2];
	[bflag:$0x3] =	sbarrier.arrive $0xFFFF;
	s2 =	simm.s32 @!p0 $0x1C01  }
0x37: {  	[timem:s3], [sflag:s2] =	dma.local @!p0 [hbm:s0], s1  }
0x38: {  	s0 =	simm.s32 @!p0 $0x1  }
0x39: {  	_ =	swait.ge @!p0 [sflag:s0], s1  }
0x3a: {  	s1 =	ssub.s32 @!p0 $0x0, s1;
	[sflag:s0] =	ssyncset.done @!p0 $0x0  }
0x3b: {  	[sflag:s0] =	ssyncadd.s32 @!p0 s1  }
0x3c: {  	[bflag:$0x3] =	sbarrier.arrive $0xFFFF  }
0x3d: {  	_ =	shalt  }

// kernel: kernel.13.cloned.1.call-start
scs
__scs_entry_jumppad:
0x0: {  	(pc) =	sbr.rel $0x88, $3  }
0x1: {  	(tag) =	ssettag $0x0;
	lr =	simm.s32 $0x1  }
0x2: {  	[smem:$0x3F98] =	sst lr;
	_ =	strace $0xD0000000  }
0x3: {  	_ = 	snop  }
0x4: {  	_ = 	snop  }
0x5: {  	_ = 	snop  }
0x6: {  	_ = 	snop  }
0x7: {  	_ = 	snop  }
__scs_overlays_trampoline_lowered:
0x8: {  	[smem:$0x3FA7] =	sst s0  }
0x9: {  	[smem:$0x3FA8] =	sst s1  }
0xa: {  	[smem:$0x3FA9] =	sst s2  }
0xb: {  	[smem:$0x3FAA] =	sst s3  }
0xc: {  	[smem:$0x3FAB] =	sst s4  }
0xd: {  	[smem:$0x3FAC] =	sst s5  }
0xe: {  	[smem:$0x3FAD] =	sst s6  }
0xf: {  	[smem:$0x3FAE] =	sst s7  }
0x10: {  	[smem:$0x3FAF] =	sst s8  }
0x11: {  	[smem:$0x3FB0] =	sst s9;
	s0 =	simm.s32 @!p0 $0x0  }
0x12: {  	s1 =	sld [smem:$0x3F96];
	s0 =	simm.s32 @p0 $0x1  }
0x13: {  	[smem:$0x3FB1] =	sst s0;
	s0 =	simm.s32 @!p1 $0x0  }
0x14: {  	s2 =	sld [smem:$0x3F95];
	s0 =	simm.s32 @p1 $0x1  }
0x15: {  	[smem:$0x3FB2] =	sst s0;
	s0 =	simm.s32 @!p2 $0x0  }
0x16: {  	s3 =	sld [smem:$0x3FDB];
	s0 =	simm.s32 @p2 $0x1  }
0x17: {  	s4 =	simm.s32 $0x1BF5;
	[smem:$0x3FB4] =	sst s0  }
0x18: {  	s0 =	sld [smem:$0x3F97];
	_ =	swait.ge [sflag:s4], $0x0  }
0x19: {  	s7 =	sld [smem:$0x3F98]  }
0x1a: {  	s8 =	sadd.s32 $0xFFFFE003, lr  }
0x1b: {  	s9 =	sadd.s32 $0xFFFFFEF7, lr;
	s5 =	simm.s32 $0xFFFFFFFF;
	p2 =	slt.u32 s8, $0xFFFFF086  }
0x1c: {  	p1 =	slt.u32 s9, $0xF7A;
	s5 =	simm.s32 @!p2 $0x0  }
0x1d: {  	s5 =	simm.s32 @p1 $0x1;
	p0 =	seq.s32 s7, s2  }
0x1e: {  	s7 =	smul.u32 @!p0 $0xF7A, s2;
	p2 =	seq.s32 @!p0 s5, $0x0  }
0x1f: {  	s9 =	smul.u32 $0xF7A, s1;
	s8 =	simm.s32 @!p0 $0x1BF5;
	p2 =	por !p2, p0  }
0x20: {  	[sflag:s8] =	ssyncset.s32 @!p0 $0xFFFFF086;
	s6 =	sadd.s32 @!p0 s3, s7;
	s7 =	simm.s32 @!p0 $0x108  }
0x21: {  	s3 =	sadd.s32 s3, s9;
	s6 =	sadd.s32 @!p0 $0x88, s6;
	s7 =	simm.s32 @p2 $0x1082  }
0x22: {  	[simem:s7], [sflag:s8] =	dma.local @!p0 [hbm:s6], $0xF7A  }
0x23: {  	s9 =	sor.u32 $0xD0000000, s2;
	s6 =	simm.s32 $0x108;
	_ =	swait.ge @!p0 [sflag:s8], $0x0  }
0x24: {  	s3 =	sadd.s32 $0x88, s3;
	s6 =	simm.s32 @!p1 $0x1082;
	[sflag:s4] =	ssyncset.s32 $0xFFFFF086  }
0x25: {  	[simem:s6], [sflag:s4] =	dma.local [hbm:s3], $0xF7A  }
0x26: {  	[smem:$0x3F98] =	sst s1;
	(tag) =	ssettag s2;
	_ =	strace s9  }
0x27: {  	s1 =	sld [smem:$0x3FA8]  }
0x28: {  	s2 =	sld [smem:$0x3FA9]  }
0x29: {  	s4 =	sld [smem:$0x3FAB]  }
0x2a: {  	p0 =	seq.s32 s5, $0x0;
	s5 =	sld [smem:$0x3FAC]  }
0x2b: {  	s6 =	sld [smem:$0x3FAD]  }
0x2c: {  	s7 =	sld [smem:$0x3FAE]  }
0x2d: {  	s3 =	simm.s32 $0x108;
	s8 =	sld [smem:$0x3FAF]  }
0x2e: {  	s3 =	simm.s32 @!p0 $0x1082;
	s9 =	sld [smem:$0x3FB0]  }
0x2f: {  	lr =	sadd.s32 s0, s3;
	s0 =	sld [smem:$0x3FA7]  }
0x30: {  	s3 =	sld [smem:$0x3FAA]  }
0x31: {  	[smem:$0x3FB3] =	sst s10  }
0x32: {  	s10 =	sld [smem:$0x3FB1];
	_ =	sdelay $0x3  }
0x33: {  	p0 =	seq.s32 s10, $0x1;
	s10 =	sld [smem:$0x3FB3];
	_ =	sdelay $0x3  }
0x34: {  	[smem:$0x3FB3] =	sst s10  }
0x35: {  	s10 =	sld [smem:$0x3FB2];
	_ =	sdelay $0x3  }
0x36: {  	p1 =	seq.s32 s10, $0x1;
	s10 =	sld [smem:$0x3FB3];
	_ =	sdelay $0x3  }
0x37: {  	[smem:$0x3FB3] =	sst s10  }
0x38: {  	s10 =	sld [smem:$0x3FB4]  }
0x39: {  	_ = 	snop;
	(pc) =	sbr.ind lr, $3  }
0x3a: {  	_ = 	snop  }
0x3b: {  	_ = 	snop  }
0x3c: {  	p2 =	seq.s32 s10, $0x1;
	s10 =	sld [smem:$0x3FB3]  }
0x3d: {  	_ =	shalt  }
0x3e: {  	_ =	shalt  }
0x3f: {  	_ =	shalt  }
0x40: {  	_ =	shalt  }
0x41: {  	_ =	shalt  }
0x42: {  	_ =	shalt  }
0x43: {  	_ =	shalt  }
0x44: {  	_ =	shalt  }
0x45: {  	_ =	shalt  }
0x46: {  	_ =	shalt  }
0x47: {  	_ =	shalt  }
0x48: {  	_ =	shalt  }
0x49: {  	_ =	shalt  }
0x4a: {  	_ =	shalt  }
0x4b: {  	_ =	shalt  }
0x4c: {  	_ =	shalt  }
0x4d: {  	_ =	shalt  }
0x4e: {  	_ =	shalt  }
0x4f: {  	_ =	shalt  }
0x50: {  	_ =	shalt  }
0x51: {  	_ =	shalt  }
0x52: {  	_ =	shalt  }
0x53: {  	_ =	shalt  }
0x54: {  	_ =	shalt  }
0x55: {  	_ =	shalt  }
0x56: {  	_ =	shalt  }
0x57: {  	_ =	shalt  }
0x58: {  	_ =	shalt  }
0x59: {  	_ =	shalt  }
0x5a: {  	_ =	shalt  }
0x5b: {  	_ =	shalt  }
0x5c: {  	_ =	shalt  }
0x5d: {  	_ =	shalt  }
0x5e: {  	_ =	shalt  }
0x5f: {  	_ =	shalt  }
0x60: {  	_ =	shalt  }
0x61: {  	_ =	shalt  }
0x62: {  	_ =	shalt  }
0x63: {  	_ =	shalt  }
0x64: {  	_ =	shalt  }
0x65: {  	_ =	shalt  }
0x66: {  	_ =	shalt  }
0x67: {  	_ =	shalt  }
0x68: {  	_ =	shalt  }
0x69: {  	_ =	shalt  }
0x6a: {  	_ =	shalt  }
0x6b: {  	_ =	shalt  }
0x6c: {  	_ =	shalt  }
0x6d: {  	_ =	shalt  }
0x6e: {  	_ =	shalt  }
0x6f: {  	_ =	shalt  }
0x70: {  	_ =	shalt  }
0x71: {  	_ =	shalt  }
0x72: {  	_ =	shalt  }
0x73: {  	_ =	shalt  }
0x74: {  	_ =	shalt  }
0x75: {  	_ =	shalt  }
0x76: {  	_ =	shalt  }
0x77: {  	_ =	shalt  }
0x78: {  	_ =	shalt  }
0x79: {  	_ =	shalt  }
0x7a: {  	_ =	shalt  }
0x7b: {  	_ =	shalt  }
0x7c: {  	_ =	shalt  }
0x7d: {  	_ =	shalt  }
0x7e: {  	_ =	shalt  }
0x7f: {  	_ =	shalt  }
0x80: {  	_ =	shalt  }
0x81: {  	_ =	shalt  }
0x82: {  	_ =	shalt  }
0x83: {  	_ =	shalt  }
0x84: {  	_ =	shalt  }
0x85: {  	_ =	shalt  }
0x86: {  	_ =	shalt  }
0x87: {  	_ =	shalt  }
.Lfunc_end0:
.L_simem_size_0:
called_computation.1_lowered:
.L_overlay_start_0:
0x88: {  	s2 =	sld [smem:$0x3FD9]  }
0x89: {  	s3 =	sld [smem:$0x3FFE];
	_ =	sdelay $0x1  }
0x8a: {  	s1 =	srdreg.scid  }
0x8b: {  	s0 =	sand.u32 $0x1, s1  }
0x8c: {  	s16 =	sshll.u32 s0, $0xA;
	s2 =	sadd.s32 s3, s2  }
0x8d: {  	s2 =	sadd.s32 s2, s16  }
0x8e: {  	[smem:$0x3FBF] =	sst s2  }
0x8f: {  	_ = 	snop  }
0x90: {  	(tm) =	ssettm $0x1  }
0x91: {  	s17 =	sld [smem:$0x3FFB];
	_ =	sdelay $0x3  }
0x92: {  	_ =	strace s17  }
0x93: {  	s2 =	sld [smem:$0x3FFC];
	_ =	sdelay $0x3  }
0x94: {  	_ =	strace s2  }
0x95: {  	s2 =	sld [smem:$0x3FFD];
	_ =	sdelay $0x3  }
0x96: {  	_ =	strace s2  }
0x97: {  	_ =	strace $0x8FFFFFFF  }
0x98: {  	s18 =	sld [smem:$0x3FDB];
	_ =	sdelay $0x1  }
0x99: {  	s19 =	simm.s32 $_scs_section_size  }
0x9a: {  	s4 =	simm.s32 $_size__tile_overlayer_lowered;
	s5 =	simm.s32 $_tile_overlayer_lowered  }
0x9b: {  	s22 =	simm.s32 $0x1BFF;
	s21 =	sshll.u32 s5, $0x1;
	s2 =	sadd.s32 s19, s18  }
0x9c: {  	s6 =	simm.s32 $0x0;
	s20 =	sshll.u32 s4, $0x1;
	s4 =	sadd.s32 s21, s2  }
0x9d: {  	[timem:s6], [sflag:s22] =	dma.local [hbm:s4], s20  }
0x9e: {  	_ =	swait.ge [sflag:s22], s20  }
0x9f: {  	s3 =	ssub.s32 $0x0, s20;
	[sflag:s22] =	ssyncset.done $0x0  }
0xa0: {  	[sflag:s22] =	ssyncadd.s32 s3;
	_ =	sdelay $0x1  }
0xa1: {  	s23 =	simm.s32 $0x1B8B  }
0xa2: {  	_ =	swait.ge [sflag:s23], $0x1  }
0xa3: {  	[sflag:s23] =	ssyncset.done $0x0  }
0xa4: {  	s25 =	simm.s32 $0x1B8E;
	s24 =	sld [smem:$0x3FFE];
	[sflag:s23] =	ssyncadd.s32 $0xFFFFFFFF  }
0xa5: {  	s26 =	simm.s32 $execute0_lowered;
	[smem:$0x3FD2] =	sst s25  }
0xa6: {  	s4 =	sshll.u32 s26, $0x1;
	_ =	strace $0x80000049;
	[dreg:$0x1] =	wrdreg $0xFFFFFFFF  }
0xa7: {  	s28 =	simm.s32 $_size_execute0_lowered;
	s2 =	sadd.s32 s2, s4;
	[dreg:$0x0] =	wrdreg $0x0  }
0xa8: {  	s4 =	sshll.u32 s28, $0x1;
	[dreg:$0x2] =	wrdreg s2  }
0xa9: {  	[dreg:$0x3] =	wrdreg s4  }
0xaa: {  	[dreg:$0x4] =	wrdreg $0xC0  }
0xab: {  	_ =	task [dreg:s6], $0x5FFFF  }
0xac: {  	[dreg:$0x1] =	wrdreg $0xFFFFFFFF  }
0xad: {  	[dreg:$0x0] =	wrdreg $0x60  }
0xae: {  	[dreg:$0x2] =	wrdreg s24  }
0xaf: {  	[dreg:$0x3] =	wrdreg $0x8F000  }
0xb0: {  	[dreg:$0x4] =	wrdreg $0x9  }
0xb1: {  	_ =	task.clear_ibuf [dreg:s6], $0x5FFFF;
	_ =	strace $0x90000049  }
0xb2: {  	s29 =	simm.s32 $0x9;
	_ =	strace $0x8000004B  }
0xb3: {  	_ =	swait.ge [sflag:s29], $0x1  }
0xb4: {  	[sflag:s29] =	ssyncadd.s32 $0xFFFFFFFF  }
0xb5: {  	_ =	strace $0x9000004B  }
0xb6: {  	_ =	sfence  }
0xb7: {  	s30 =	sld [smem:$0x0];
	_ =	sdelay $0x2  }
0xb8: {  	s31 =	sshll.u32 s1, $0xD;
	s1 =	sshrl.u32 s1, $0x2  }
0xb9: {  	s3 =	sand.u32 $0x4000, s31;
	s1 =	sadd.s32 s1, s30  }
0xba: {  	s0 =	sor.u32 s3, s0;
	s1 =	sshll.u32 s1, $0x11  }
0xbb: {  	s0 =	sor.u32 s1, s0  }
0xbc: {  	s0 =	sadd.s32 $0x8F2B, s0  }
0xbd: {  	[sflag:s0] =	ssyncadd.remote.s32 $0x1  }
0xbe: {  	_ =	sfence.sel $0xFFFF  }
0xbf: {  	[dreg:$0x0] =	wrdreg $0xFFFFFFFF;
	(pc) =	sbr.abs _section_cstart, $3  }
0xc0: {  	[dreg:$0x1] =	wrdreg $0xFFFFFFFF  }
0xc1: {  	_ =	task.clear_ibuf [dreg:s6], $0x2FFFF;
	_ =	strace $0x9FFFFFFF  }
0xc2: {  	(tm) =	ssettm $0x7FFFFFFF  }
0xc3: {  	_ =	shalt  }
tec
execute0_lowered:
.L_overlay_start_1:
0x0: {  	(tag) =	ssettag $0x1  }
0x1: {  	s5 =	rddreg [dreg:$0x0]  }
0x2: {  	s0 =	srdreg.scid;
	s2 =	rddreg [dreg:$0x1]  }
0x3: {  	s1 =	rddreg [dreg:$0x2];
	s6 =	sand.u32 $0x1, s0  }
0x4: {  	s0 =	stileid.u32;
	s4 =	smul.u32 $0x27800, s6  }
0x5: {  	s3 =	simm.s32 $0x0;
	s14 =	simm.s32 $0x80;
	s7 =	smul.u32 $0x2780, s0  }
0x6: {  	s15 =	simm.s32 $0x4F00;
	s16 =	simm.s32 $0x1;
	s8 =	smul.u32 $0x14000, s0  }
0x7: {  	s17 =	simm.s32 $0x0;
	[smem:$0x7FF] =	sst s3;
	s9 =	smul.u32 $0x140000, s6  }
0x8: {  	_ =	strace $0x8000004A;
	s6 =	ssub.s32 $0x2, s6;
	s12 =	sshll.u32 s0, $0x6  }
0x9: {  	s11 =	sshrl.u32 s6, $0x1;
	s12 =	sor.u32 $0x1C02, s12;
	s7 =	sadd.s32 s7, s4  }
0xa: {  	s4 =	sadd.s32 $0xD600, s5;
	s9 =	sadd.s32 s8, s9;
	s10 =	sshrl.u32 s8, $0x3  }
0xb: {  	s11 =	ssub.s32 s6, s11;
	s13 =	sadd.s32 s8, s2;
	s7 =	sshrl.u32 s7, $0x3  }
0xc: {  	s9 =	sshrl.u32 s9, $0x3;
	s10 =	sadd.s32 s10, s5;
	s7 =	sadd.s32 s7, s5  }
0xd: {  	s13 =	sshrl.u32 s13, $0x3;
	s9 =	sadd.s32 s9, s5;
	s5 =	sadd.s32 $0x8F600, s7  }
0xe: {  	s6 =	sadd.s32 $0x3800, s7;
	s7 =	sadd.s32 $0x5D600, s10;
	s8 =	sadd.s32 $0x99400, s9  }
0xf: {  	s9 =	smax.u32 s11, $0x1;
	s10 =	simm.s32 $0x2;
	s11 =	simm.s32 $0x2780  }
.LBB2_1:
0x10: {  	[tilespmem:s3], [sflag:$0x2] =	stream.linear.gather [hbm4b:s5+s3], $0x2780, $0x38;
	[tilespmem:$0x1CF00] =	vst v63  }
0x11: {  	_ =	swait.ge [sflag:s10], $0x2780  }
0x12: {  	[sflag:s10] =	ssyncset.done $0x0  }
0x13: {  	[sflag:s10] =	ssyncadd.s32 $0xFFFFD880  }
0x14: {  	[tilespmem:s11], [sflag:$0x2] =	stream.linear.gather [hbm4b:s6+s3], $0x2780, $0x38;
	[tilespmem:$0x1CF00] =	vst v63  }
0x15: {  	_ =	swait.ge [sflag:s10], $0x2780  }
0x16: {  	[sflag:s10] =	ssyncset.done $0x0  }
0x17: {  	[sflag:s10] =	ssyncadd.s32 $0xFFFFD880  }
0x18: {  	[spmem:s13], [sflag:s12] =	dma.local [hbm:s7], $0x2800  }
0x19: {  	_ =	swait.ge [sflag:s10], $0x2800  }
0x1a: {  	[sflag:s10] =	ssyncset.done $0x0  }
0x1b: {  	[sflag:s10] =	ssyncadd.s32 $0xFFFFD800  }
0x1c: {  	s18 =	simm.s32 $0x0;
	[bflag:$0x0] =	sbarrier.arrive $0xFFFF  }
0x1d: {  	[tilespmem:s15], [sflag:$0x1] =	stream.indirect.gather [hbm4b:s4+s14], $0x80, s18, s14, $0xb8;
	[tilespmem:$0x1CF00] =	vst v63  }
0x1e: {  	_ =	swait.ge [sflag:s16], $0x4000  }
0x1f: {  	[sflag:s16] =	ssyncset.done $0x0  }
0x20: {  	s31 =	simm.s32 $0x2780;
	[sflag:s16] =	ssyncadd.s32 $0xFFFFC000  }
0x21: {  	[spmem:s2] =	stream.indirect.scatter.add.f32 [tilespmem:s15], [sflag:$0x2], $0x80, s31, s14, $0xb8;
	[tilespmem:$0x1CF00] =	vst v63  }
0x22: {  	_ =	swait.ge [sflag:s10], $0x4000  }
0x23: {  	s19 =	simm.s32 $0x400;
	s18 =	simm.s32 $0x200;
	[sflag:s10] =	ssyncset.done $0x0  }
.LBB2_2:
0x24: {  	s20 =	sshra.s32 s18, $0x2  }
0x25: {  	[sflag:s10] =	ssyncadd.s32 $0xFFFFC000;
	s18 =	smov.u32 s19;
	s21 =	sadd.s32 $0x200, s19  }
0x26: {  	[tilespmem:s15], [sflag:$0x1] =	stream.indirect.gather [hbm4b:s4+s14], $0x80, s20, s14, $0xb8;
	[tilespmem:$0x1CF00] =	vst v63  }
0x27: {  	p0 =	sne.s32 s19, $0x9C00;
	_ =	swait.ge [sflag:s16], $0x4000  }
.Ltmp0:
0x28: {  	[sflag:s16] =	ssyncset.done $0x0;
	(pc) =	sbr.rel @p0 .LBB2_2-.Ltmp0, $4  }
0x29: {  	s19 =	sadd.s32 $0x2780, s20;
	[sflag:s16] =	ssyncadd.s32 $0xFFFFC000  }
0x2a: {  	[spmem:s2] =	stream.indirect.scatter.add.f32 [tilespmem:s15], [sflag:$0x2], $0x80, s19, s14, $0xb8;
	[tilespmem:$0x1CF00] =	vst v63  }
0x2b: {  	_ =	swait.ge [sflag:s10], $0x4000  }
0x2c: {  	s19 =	smov.u32 s21;
	[sflag:s10] =	ssyncset.done $0x0  }
0x2d: {  	s18 =	sshra.s32 s18, $0x2;
	[sflag:s10] =	ssyncadd.s32 $0xFFFFC000  }
0x2e: {  	[tilespmem:s15], [sflag:$0x1] =	stream.indirect.gather [hbm4b:s4+s14], $0x80, s18, s14, $0xb8;
	[tilespmem:$0x1CF00] =	vst v63  }
0x2f: {  	_ =	swait.ge [sflag:s16], $0x4000  }
0x30: {  	[sflag:s16] =	ssyncset.done $0x0  }
0x31: {  	s18 =	sadd.s32 $0x2780, s18;
	[sflag:s16] =	ssyncadd.s32 $0xFFFFC000  }
0x32: {  	[spmem:s2] =	stream.indirect.scatter.add.f32 [tilespmem:s15], [sflag:$0x2], $0x80, s18, s14, $0xb8;
	[tilespmem:$0x1CF00] =	vst v63  }
0x33: {  	_ =	swait.ge [sflag:s10], $0x4000  }
0x34: {  	s17 =	sadd.s32 $0x1, s17;
	[sflag:s10] =	ssyncset.done $0x0  }
0x35: {  	p0 =	sne.s32 s17, s9;
	[sflag:s10] =	ssyncadd.s32 $0xFFFFC000  }
.Ltmp1:
0x36: {  	[bflag:$0x0] =	sbarrier.arrive $0xFFFF;
	(pc) =	sbr.rel @p0 .LBB2_1-.Ltmp1, $4  }
0x37: {  	[hbm:s8], [sflag:s12] =	dma.local [spmem:s13], $0x2800  }
0x38: {  	_ =	swait.ge [sflag:s10], $0x2800  }
0x39: {  	[sflag:s10] =	ssyncset.done $0x0  }
0x3a: {  	[sflag:s10] =	ssyncadd.s32 $0xFFFFD800  }
0x3b: {  	_ =	sfence.sel $0x180000  }
0x3c: {  	[bflag:$0x0] =	sbarrier.arrive $0xFFFF  }
0x3d: {  	p0 =	sne.s32 s0, $0x0;
	_ =	strace $0x9000004A  }
0x3e: {  	s0 =	sadd.s32 @!p0 $0x100000, s1;
	[bflag:$0x2] =	sbarrier.arrive $0xFFFF  }
0x3f: {  	[sflag:s0] =	ssyncadd.tile.s32 @!p0 $0x1;
	_ =	shalt  }
.Lfunc_end2:
_tile_overlayer_lowered:
.L_overlay_start_2:
0x40: {  	(tag) =	ssettag $0x2  }
0x41: {  	s0 =	rddreg [dreg:$0x0];
	s2 =	stileid.u32  }
0x42: {  	s1 =	rddreg [dreg:$0x1];
	p0 =	sne.s32 s2, $0x0  }
0x43: {  	s3 =	rddreg [dreg:$0x2];
	[bflag:$0x3] =	sbarrier.arrive $0xFFFF;
	s2 =	simm.s32 @!p0 $0x1C02  }
0x44: {  	[timem:s3], [sflag:s2] =	dma.local @!p0 [hbm:s0], s1  }
0x45: {  	s0 =	simm.s32 @!p0 $0x2  }
0x46: {  	_ =	swait.ge @!p0 [sflag:s0], s1  }
0x47: {  	s1 =	ssub.s32 @!p0 $0x0, s1;
	[sflag:s0] =	ssyncset.done @!p0 $0x0  }
0x48: {  	[sflag:s0] =	ssyncadd.s32 @!p0 s1  }
0x49: {  	[bflag:$0x3] =	sbarrier.arrive $0xFFFF  }
0x4a: {  	_ =	shalt  }

// kernel: kernel.16.cloned.1.call-start
scs
__scs_entry_jumppad:
0x0: {  	(pc) =	sbr.rel $0x88, $3  }
0x1: {  	(tag) =	ssettag $0x0;
	lr =	simm.s32 $0x1  }
0x2: {  	[smem:$0x3F98] =	sst lr;
	_ =	strace $0xD0000000  }
0x3: {  	_ = 	snop  }
0x4: {  	_ = 	snop  }
0x5: {  	_ = 	snop  }
0x6: {  	_ = 	snop  }
0x7: {  	_ = 	snop  }
__scs_overlays_trampoline_lowered:
0x8: {  	[smem:$0x3FA7] =	sst s0  }
0x9: {  	[smem:$0x3FA8] =	sst s1  }
0xa: {  	[smem:$0x3FA9] =	sst s2  }
0xb: {  	[smem:$0x3FAA] =	sst s3  }
0xc: {  	[smem:$0x3FAB] =	sst s4  }
0xd: {  	[smem:$0x3FAC] =	sst s5  }
0xe: {  	[smem:$0x3FAD] =	sst s6  }
0xf: {  	[smem:$0x3FAE] =	sst s7  }
0x10: {  	[smem:$0x3FAF] =	sst s8  }
0x11: {  	[smem:$0x3FB0] =	sst s9;
	s0 =	simm.s32 @!p0 $0x0  }
0x12: {  	s1 =	sld [smem:$0x3F96];
	s0 =	simm.s32 @p0 $0x1  }
0x13: {  	[smem:$0x3FB1] =	sst s0;
	s0 =	simm.s32 @!p1 $0x0  }
0x14: {  	s2 =	sld [smem:$0x3F95];
	s0 =	simm.s32 @p1 $0x1  }
0x15: {  	[smem:$0x3FB2] =	sst s0;
	s0 =	simm.s32 @!p2 $0x0  }
0x16: {  	s3 =	sld [smem:$0x3FDB];
	s0 =	simm.s32 @p2 $0x1  }
0x17: {  	s4 =	simm.s32 $0x1BF5;
	[smem:$0x3FB4] =	sst s0  }
0x18: {  	s0 =	sld [smem:$0x3F97];
	_ =	swait.ge [sflag:s4], $0x0  }
0x19: {  	s7 =	sld [smem:$0x3F98]  }
0x1a: {  	s8 =	sadd.s32 $0xFFFFE003, lr  }
0x1b: {  	s9 =	sadd.s32 $0xFFFFFEF7, lr;
	s5 =	simm.s32 $0xFFFFFFFF;
	p2 =	slt.u32 s8, $0xFFFFF086  }
0x1c: {  	p1 =	slt.u32 s9, $0xF7A;
	s5 =	simm.s32 @!p2 $0x0  }
0x1d: {  	s5 =	simm.s32 @p1 $0x1;
	p0 =	seq.s32 s7, s2  }
0x1e: {  	s7 =	smul.u32 @!p0 $0xF7A, s2;
	p2 =	seq.s32 @!p0 s5, $0x0  }
0x1f: {  	s9 =	smul.u32 $0xF7A, s1;
	s8 =	simm.s32 @!p0 $0x1BF5;
	p2 =	por !p2, p0  }
0x20: {  	[sflag:s8] =	ssyncset.s32 @!p0 $0xFFFFF086;
	s6 =	sadd.s32 @!p0 s3, s7;
	s7 =	simm.s32 @!p0 $0x108  }
0x21: {  	s3 =	sadd.s32 s3, s9;
	s6 =	sadd.s32 @!p0 $0x88, s6;
	s7 =	simm.s32 @p2 $0x1082  }
0x22: {  	[simem:s7], [sflag:s8] =	dma.local @!p0 [hbm:s6], $0xF7A  }
0x23: {  	s9 =	sor.u32 $0xD0000000, s2;
	s6 =	simm.s32 $0x108;
	_ =	swait.ge @!p0 [sflag:s8], $0x0  }
0x24: {  	s3 =	sadd.s32 $0x88, s3;
	s6 =	simm.s32 @!p1 $0x1082;
	[sflag:s4] =	ssyncset.s32 $0xFFFFF086  }
0x25: {  	[simem:s6], [sflag:s4] =	dma.local [hbm:s3], $0xF7A  }
0x26: {  	[smem:$0x3F98] =	sst s1;
	(tag) =	ssettag s2;
	_ =	strace s9  }
0x27: {  	s1 =	sld [smem:$0x3FA8]  }
0x28: {  	s2 =	sld [smem:$0x3FA9]  }
0x29: {  	s4 =	sld [smem:$0x3FAB]  }
0x2a: {  	p0 =	seq.s32 s5, $0x0;
	s5 =	sld [smem:$0x3FAC]  }
0x2b: {  	s6 =	sld [smem:$0x3FAD]  }
0x2c: {  	s7 =	sld [smem:$0x3FAE]  }
0x2d: {  	s3 =	simm.s32 $0x108;
	s8 =	sld [smem:$0x3FAF]  }
0x2e: {  	s3 =	simm.s32 @!p0 $0x1082;
	s9 =	sld [smem:$0x3FB0]  }
0x2f: {  	lr =	sadd.s32 s0, s3;
	s0 =	sld [smem:$0x3FA7]  }
0x30: {  	s3 =	sld [smem:$0x3FAA]  }
0x31: {  	[smem:$0x3FB3] =	sst s10  }
0x32: {  	s10 =	sld [smem:$0x3FB1];
	_ =	sdelay $0x3  }
0x33: {  	p0 =	seq.s32 s10, $0x1;
	s10 =	sld [smem:$0x3FB3];
	_ =	sdelay $0x3  }
0x34: {  	[smem:$0x3FB3] =	sst s10  }
0x35: {  	s10 =	sld [smem:$0x3FB2];
	_ =	sdelay $0x3  }
0x36: {  	p1 =	seq.s32 s10, $0x1;
	s10 =	sld [smem:$0x3FB3];
	_ =	sdelay $0x3  }
0x37: {  	[smem:$0x3FB3] =	sst s10  }
0x38: {  	s10 =	sld [smem:$0x3FB4]  }
0x39: {  	_ = 	snop;
	(pc) =	sbr.ind lr, $3  }
0x3a: {  	_ = 	snop  }
0x3b: {  	_ = 	snop  }
0x3c: {  	p2 =	seq.s32 s10, $0x1;
	s10 =	sld [smem:$0x3FB3]  }
0x3d: {  	_ =	shalt  }
0x3e: {  	_ =	shalt  }
0x3f: {  	_ =	shalt  }
0x40: {  	_ =	shalt  }
0x41: {  	_ =	shalt  }
0x42: {  	_ =	shalt  }
0x43: {  	_ =	shalt  }
0x44: {  	_ =	shalt  }
0x45: {  	_ =	shalt  }
0x46: {  	_ =	shalt  }
0x47: {  	_ =	shalt  }
0x48: {  	_ =	shalt  }
0x49: {  	_ =	shalt  }
0x4a: {  	_ =	shalt  }
0x4b: {  	_ =	shalt  }
0x4c: {  	_ =	shalt  }
0x4d: {  	_ =	shalt  }
0x4e: {  	_ =	shalt  }
0x4f: {  	_ =	shalt  }
0x50: {  	_ =	shalt  }
0x51: {  	_ =	shalt  }
0x52: {  	_ =	shalt  }
0x53: {  	_ =	shalt  }
0x54: {  	_ =	shalt  }
0x55: {  	_ =	shalt  }
0x56: {  	_ =	shalt  }
0x57: {  	_ =	shalt  }
0x58: {  	_ =	shalt  }
0x59: {  	_ =	shalt  }
0x5a: {  	_ =	shalt  }
0x5b: {  	_ =	shalt  }
0x5c: {  	_ =	shalt  }
0x5d: {  	_ =	shalt  }
0x5e: {  	_ =	shalt  }
0x5f: {  	_ =	shalt  }
0x60: {  	_ =	shalt  }
0x61: {  	_ =	shalt  }
0x62: {  	_ =	shalt  }
0x63: {  	_ =	shalt  }
0x64: {  	_ =	shalt  }
0x65: {  	_ =	shalt  }
0x66: {  	_ =	shalt  }
0x67: {  	_ =	shalt  }
0x68: {  	_ =	shalt  }
0x69: {  	_ =	shalt  }
0x6a: {  	_ =	shalt  }
0x6b: {  	_ =	shalt  }
0x6c: {  	_ =	shalt  }
0x6d: {  	_ =	shalt  }
0x6e: {  	_ =	shalt  }
0x6f: {  	_ =	shalt  }
0x70: {  	_ =	shalt  }
0x71: {  	_ =	shalt  }
0x72: {  	_ =	shalt  }
0x73: {  	_ =	shalt  }
0x74: {  	_ =	shalt  }
0x75: {  	_ =	shalt  }
0x76: {  	_ =	shalt  }
0x77: {  	_ =	shalt  }
0x78: {  	_ =	shalt  }
0x79: {  	_ =	shalt  }
0x7a: {  	_ =	shalt  }
0x7b: {  	_ =	shalt  }
0x7c: {  	_ =	shalt  }
0x7d: {  	_ =	shalt  }
0x7e: {  	_ =	shalt  }
0x7f: {  	_ =	shalt  }
0x80: {  	_ =	shalt  }
0x81: {  	_ =	shalt  }
0x82: {  	_ =	shalt  }
0x83: {  	_ =	shalt  }
0x84: {  	_ =	shalt  }
0x85: {  	_ =	shalt  }
0x86: {  	_ =	shalt  }
0x87: {  	_ =	shalt  }
.Lfunc_end0:
.L_simem_size_0:
called_computation.2_lowered:
.L_overlay_start_0:
0x88: {  	s2 =	sld [smem:$0x3FD9]  }
0x89: {  	s3 =	sld [smem:$0x3FFE];
	_ =	sdelay $0x1  }
0x8a: {  	s1 =	srdreg.scid  }
0x8b: {  	s0 =	sand.u32 $0x1, s1  }
0x8c: {  	s16 =	sshll.u32 s0, $0xA;
	s2 =	sadd.s32 s3, s2  }
0x8d: {  	s2 =	sadd.s32 s2, s16  }
0x8e: {  	[smem:$0x3FBF] =	sst s2  }
0x8f: {  	_ = 	snop  }
0x90: {  	(tm) =	ssettm $0x1  }
0x91: {  	s17 =	sld [smem:$0x3FFB];
	_ =	sdelay $0x3  }
0x92: {  	_ =	strace s17  }
0x93: {  	s2 =	sld [smem:$0x3FFC];
	_ =	sdelay $0x3  }
0x94: {  	_ =	strace s2  }
0x95: {  	s2 =	sld [smem:$0x3FFD];
	_ =	sdelay $0x3  }
0x96: {  	_ =	strace s2  }
0x97: {  	_ =	strace $0x8FFFFFFF  }
0x98: {  	s18 =	sld [smem:$0x3FDB];
	_ =	sdelay $0x1  }
0x99: {  	s19 =	simm.s32 $_scs_section_size  }
0x9a: {  	s4 =	simm.s32 $_size__tile_overlayer_lowered;
	s5 =	simm.s32 $_tile_overlayer_lowered  }
0x9b: {  	s22 =	simm.s32 $0x1BFF;
	s21 =	sshll.u32 s5, $0x1;
	s2 =	sadd.s32 s19, s18  }
0x9c: {  	s6 =	simm.s32 $0x0;
	s20 =	sshll.u32 s4, $0x1;
	s4 =	sadd.s32 s21, s2  }
0x9d: {  	[timem:s6], [sflag:s22] =	dma.local [hbm:s4], s20  }
0x9e: {  	_ =	swait.ge [sflag:s22], s20  }
0x9f: {  	s3 =	ssub.s32 $0x0, s20;
	[sflag:s22] =	ssyncset.done $0x0  }
0xa0: {  	[sflag:s22] =	ssyncadd.s32 s3;
	_ =	sdelay $0x1  }
0xa1: {  	s23 =	simm.s32 $0x1B8B  }
0xa2: {  	_ =	swait.ge [sflag:s23], $0x1  }
0xa3: {  	[sflag:s23] =	ssyncset.done $0x0  }
0xa4: {  	s25 =	simm.s32 $0x1B8E;
	s24 =	sld [smem:$0x3FFE];
	[sflag:s23] =	ssyncadd.s32 $0xFFFFFFFF  }
0xa5: {  	s26 =	simm.s32 $execute0_lowered;
	[smem:$0x3FD2] =	sst s25  }
0xa6: {  	s4 =	sshll.u32 s26, $0x1;
	_ =	strace $0x8000004C;
	[dreg:$0x1] =	wrdreg $0xFFFFFFFF  }
0xa7: {  	s28 =	simm.s32 $_size_execute0_lowered;
	s2 =	sadd.s32 s2, s4;
	[dreg:$0x0] =	wrdreg $0x0  }
0xa8: {  	s4 =	sshll.u32 s28, $0x1;
	[dreg:$0x2] =	wrdreg s2  }
0xa9: {  	[dreg:$0x3] =	wrdreg s4  }
0xaa: {  	[dreg:$0x4] =	wrdreg $0xC0  }
0xab: {  	_ =	task [dreg:s6], $0x5FFFF  }
0xac: {  	[dreg:$0x1] =	wrdreg $0xFFFFFFFF  }
0xad: {  	[dreg:$0x0] =	wrdreg $0x60  }
0xae: {  	[dreg:$0x2] =	wrdreg s24  }
0xaf: {  	[dreg:$0x3] =	wrdreg $0x6F000  }
0xb0: {  	[dreg:$0x4] =	wrdreg $0x9  }
0xb1: {  	_ =	task.clear_ibuf [dreg:s6], $0x5FFFF;
	_ =	strace $0x9000004C  }
0xb2: {  	s29 =	simm.s32 $0x9;
	_ =	strace $0x8000004E  }
0xb3: {  	_ =	swait.ge [sflag:s29], $0x1  }
0xb4: {  	[sflag:s29] =	ssyncadd.s32 $0xFFFFFFFF  }
0xb5: {  	_ =	strace $0x9000004E  }
0xb6: {  	_ =	sfence  }
0xb7: {  	s30 =	sld [smem:$0x0];
	_ =	sdelay $0x2  }
0xb8: {  	s31 =	sshll.u32 s1, $0xD;
	s1 =	sshrl.u32 s1, $0x2  }
0xb9: {  	s3 =	sand.u32 $0x4000, s31;
	s1 =	sadd.s32 s1, s30  }
0xba: {  	s0 =	sor.u32 s3, s0;
	s1 =	sshll.u32 s1, $0x11  }
0xbb: {  	s0 =	sor.u32 s1, s0  }
0xbc: {  	s0 =	sadd.s32 $0x8F2B, s0  }
0xbd: {  	[sflag:s0] =	ssyncadd.remote.s32 $0x1  }
0xbe: {  	_ =	sfence.sel $0xFFFF  }
0xbf: {  	[dreg:$0x0] =	wrdreg $0xFFFFFFFF;
	(pc) =	sbr.abs _section_cstart, $3  }
0xc0: {  	[dreg:$0x1] =	wrdreg $0xFFFFFFFF  }
0xc1: {  	_ =	task.clear_ibuf [dreg:s6], $0x2FFFF;
	_ =	strace $0x9FFFFFFF  }
0xc2: {  	(tm) =	ssettm $0x7FFFFFFF  }
0xc3: {  	_ =	shalt  }
tec
execute0_lowered:
.L_overlay_start_1:
0x0: {  	(tag) =	ssettag $0x1  }
0x1: {  	s5 =	rddreg [dreg:$0x0]  }
0x2: {  	s0 =	srdreg.scid;
	s2 =	rddreg [dreg:$0x1]  }
0x3: {  	s1 =	rddreg [dreg:$0x2];
	s6 =	sand.u32 $0x1, s0  }
0x4: {  	s0 =	stileid.u32;
	s4 =	smul.u32 $0x27800, s6  }
0x5: {  	s3 =	simm.s32 $0x0;
	s14 =	simm.s32 $0x80;
	s7 =	smul.u32 $0x2780, s0  }
0x6: {  	s15 =	simm.s32 $0x4F00;
	s16 =	simm.s32 $0x1;
	s8 =	smul.u32 $0xA000, s0  }
0x7: {  	s17 =	simm.s32 $0x0;
	[smem:$0x7FF] =	sst s3;
	s9 =	smul.u32 $0xA0000, s6  }
0x8: {  	_ =	strace $0x8000004D;
	s6 =	ssub.s32 $0x2, s6;
	s12 =	sshll.u32 s0, $0x6  }
0x9: {  	s11 =	sshrl.u32 s6, $0x1;
	s12 =	sor.u32 $0x1C02, s12;
	s7 =	sadd.s32 s7, s4  }
0xa: {  	s4 =	sadd.s32 $0xD600, s5;
	s9 =	sadd.s32 s8, s9;
	s10 =	sshrl.u32 s8, $0x3  }
0xb: {  	s11 =	ssub.s32 s6, s11;
	s13 =	sadd.s32 s8, s2;
	s7 =	sshrl.u32 s7, $0x3  }
0xc: {  	s9 =	sshrl.u32 s9, $0x3;
	s10 =	sadd.s32 s10, s5;
	s7 =	sadd.s32 s7, s5  }
0xd: {  	s13 =	sshrl.u32 s13, $0x3;
	s9 =	sadd.s32 s9, s5;
	s5 =	sadd.s32 $0x8F600, s7  }
0xe: {  	s6 =	sadd.s32 $0x3800, s7;
	s7 =	sadd.s32 $0x21600, s10;
	s8 =	sadd.s32 $0x5D600, s9  }
0xf: {  	s9 =	smax.u32 s11, $0x1;
	s10 =	simm.s32 $0x2;
	s11 =	simm.s32 $0x2780  }
.LBB2_1:
0x10: {  	[tilespmem:s3], [sflag:$0x2] =	stream.linear.gather [hbm4b:s5+s3], $0x2780, $0x38;
	[tilespmem:$0x10F00] =	vst v63  }
0x11: {  	_ =	swait.ge [sflag:s10], $0x2780  }
0x12: {  	[sflag:s10] =	ssyncset.done $0x0  }
0x13: {  	[sflag:s10] =	ssyncadd.s32 $0xFFFFD880  }
0x14: {  	[tilespmem:s11], [sflag:$0x2] =	stream.linear.gather [hbm4b:s6+s3], $0x2780, $0x38;
	[tilespmem:$0x10F00] =	vst v63  }
0x15: {  	_ =	swait.ge [sflag:s10], $0x2780  }
0x16: {  	[sflag:s10] =	ssyncset.done $0x0  }
0x17: {  	[sflag:s10] =	ssyncadd.s32 $0xFFFFD880  }
0x18: {  	[spmem:s13], [sflag:s12] =	dma.local [hbm:s7], $0x1400  }
0x19: {  	_ =	swait.ge [sflag:s10], $0x1400  }
0x1a: {  	[sflag:s10] =	ssyncset.done $0x0  }
0x1b: {  	[sflag:s10] =	ssyncadd.s32 $0xFFFFEC00  }
0x1c: {  	s18 =	simm.s32 $0x0;
	[bflag:$0x0] =	sbarrier.arrive $0xFFFF  }
0x1d: {  	[tilespmem:s15], [sflag:$0x1] =	stream.indirect.gather [hbm4b:s4+s14], $0x40, s18, s14, $0xb8;
	[tilespmem:$0x10F00] =	vst v63  }
0x1e: {  	_ =	swait.ge [sflag:s16], $0x2000  }
0x1f: {  	[sflag:s16] =	ssyncset.done $0x0  }
0x20: {  	s31 =	simm.s32 $0x2780;
	[sflag:s16] =	ssyncadd.s32 $0xFFFFE000  }
0x21: {  	[spmem:s2] =	stream.indirect.scatter.add.f32 [tilespmem:s15], [sflag:$0x2], $0x40, s31, s14, $0xb8;
	[tilespmem:$0x10F00] =	vst v63  }
0x22: {  	_ =	swait.ge [sflag:s10], $0x2000  }
0x23: {  	s19 =	simm.s32 $0x400;
	s18 =	simm.s32 $0x200;
	[sflag:s10] =	ssyncset.done $0x0  }
.LBB2_2:
0x24: {  	s20 =	sshra.s32 s18, $0x2  }
0x25: {  	[sflag:s10] =	ssyncadd.s32 $0xFFFFE000;
	s18 =	smov.u32 s19;
	s21 =	sadd.s32 $0x200, s19  }
0x26: {  	[tilespmem:s15], [sflag:$0x1] =	stream.indirect.gather [hbm4b:s4+s14], $0x40, s20, s14, $0xb8;
	[tilespmem:$0x10F00] =	vst v63  }
0x27: {  	p0 =	sne.s32 s19, $0x9C00;
	_ =	swait.ge [sflag:s16], $0x2000  }
.Ltmp0:
0x28: {  	[sflag:s16] =	ssyncset.done $0x0;
	(pc) =	sbr.rel @p0 .LBB2_2-.Ltmp0, $4  }
0x29: {  	s19 =	sadd.s32 $0x2780, s20;
	[sflag:s16] =	ssyncadd.s32 $0xFFFFE000  }
0x2a: {  	[spmem:s2] =	stream.indirect.scatter.add.f32 [tilespmem:s15], [sflag:$0x2], $0x40, s19, s14, $0xb8;
	[tilespmem:$0x10F00] =	vst v63  }
0x2b: {  	_ =	swait.ge [sflag:s10], $0x2000  }
0x2c: {  	s19 =	smov.u32 s21;
	[sflag:s10] =	ssyncset.done $0x0  }
0x2d: {  	s18 =	sshra.s32 s18, $0x2;
	[sflag:s10] =	ssyncadd.s32 $0xFFFFE000  }
0x2e: {  	[tilespmem:s15], [sflag:$0x1] =	stream.indirect.gather [hbm4b:s4+s14], $0x40, s18, s14, $0xb8;
	[tilespmem:$0x10F00] =	vst v63  }
0x2f: {  	_ =	swait.ge [sflag:s16], $0x2000  }
0x30: {  	[sflag:s16] =	ssyncset.done $0x0  }
0x31: {  	s18 =	sadd.s32 $0x2780, s18;
	[sflag:s16] =	ssyncadd.s32 $0xFFFFE000  }
0x32: {  	[spmem:s2] =	stream.indirect.scatter.add.f32 [tilespmem:s15], [sflag:$0x2], $0x40, s18, s14, $0xb8;
	[tilespmem:$0x10F00] =	vst v63  }
0x33: {  	_ =	swait.ge [sflag:s10], $0x2000  }
0x34: {  	s17 =	sadd.s32 $0x1, s17;
	[sflag:s10] =	ssyncset.done $0x0  }
0x35: {  	p0 =	sne.s32 s17, s9;
	[sflag:s10] =	ssyncadd.s32 $0xFFFFE000  }
.Ltmp1:
0x36: {  	[bflag:$0x0] =	sbarrier.arrive $0xFFFF;
	(pc) =	sbr.rel @p0 .LBB2_1-.Ltmp1, $4  }
0x37: {  	[hbm:s8], [sflag:s12] =	dma.local [spmem:s13], $0x1400  }
0x38: {  	_ =	swait.ge [sflag:s10], $0x1400  }
0x39: {  	[sflag:s10] =	ssyncset.done $0x0  }
0x3a: {  	[sflag:s10] =	ssyncadd.s32 $0xFFFFEC00  }
0x3b: {  	_ =	sfence.sel $0x180000  }
0x3c: {  	[bflag:$0x0] =	sbarrier.arrive $0xFFFF  }
0x3d: {  	p0 =	sne.s32 s0, $0x0;
	_ =	strace $0x9000004D  }
0x3e: {  	s0 =	sadd.s32 @!p0 $0x100000, s1;
	[bflag:$0x2] =	sbarrier.arrive $0xFFFF  }
0x3f: {  	[sflag:s0] =	ssyncadd.tile.s32 @!p0 $0x1;
	_ =	shalt  }
.Lfunc_end2:
_tile_overlayer_lowered:
.L_overlay_start_2:
0x40: {  	(tag) =	ssettag $0x2  }
0x41: {  	s0 =	rddreg [dreg:$0x0];
	s2 =	stileid.u32  }
0x42: {  	s1 =	rddreg [dreg:$0x1];
	p0 =	sne.s32 s2, $0x0  }
0x43: {  	s3 =	rddreg [dreg:$0x2];
	[bflag:$0x3] =	sbarrier.arrive $0xFFFF;
	s2 =	simm.s32 @!p0 $0x1C02  }
0x44: {  	[timem:s3], [sflag:s2] =	dma.local @!p0 [hbm:s0], s1  }
0x45: {  	s0 =	simm.s32 @!p0 $0x2  }
0x46: {  	_ =	swait.ge @!p0 [sflag:s0], s1  }
0x47: {  	s1 =	ssub.s32 @!p0 $0x0, s1;
	[sflag:s0] =	ssyncset.done @!p0 $0x0  }
0x48: {  	[sflag:s0] =	ssyncadd.s32 @!p0 s1  }
0x49: {  	[bflag:$0x3] =	sbarrier.arrive $0xFFFF  }
0x4a: {  	_ =	shalt  }

// kernel: kernel.19.cloned.1.call-start
scs
__scs_entry_jumppad:
0x0: {  	(pc) =	sbr.rel $0x88, $3  }
0x1: {  	(tag) =	ssettag $0x0;
	lr =	simm.s32 $0x1  }
0x2: {  	[smem:$0x3F98] =	sst lr;
	_ =	strace $0xD0000000  }
0x3: {  	_ = 	snop  }
0x4: {  	_ = 	snop  }
0x5: {  	_ = 	snop  }
0x6: {  	_ = 	snop  }
0x7: {  	_ = 	snop  }
__scs_overlays_trampoline_lowered:
0x8: {  	[smem:$0x3FA7] =	sst s0  }
0x9: {  	[smem:$0x3FA8] =	sst s1  }
0xa: {  	[smem:$0x3FA9] =	sst s2  }
0xb: {  	[smem:$0x3FAA] =	sst s3  }
0xc: {  	[smem:$0x3FAB] =	sst s4  }
0xd: {  	[smem:$0x3FAC] =	sst s5  }
0xe: {  	[smem:$0x3FAD] =	sst s6  }
0xf: {  	[smem:$0x3FAE] =	sst s7  }
0x10: {  	[smem:$0x3FAF] =	sst s8  }
0x11: {  	[smem:$0x3FB0] =	sst s9;
	s0 =	simm.s32 @!p0 $0x0  }
0x12: {  	s1 =	sld [smem:$0x3F96];
	s0 =	simm.s32 @p0 $0x1  }
0x13: {  	[smem:$0x3FB1] =	sst s0;
	s0 =	simm.s32 @!p1 $0x0  }
0x14: {  	s2 =	sld [smem:$0x3F95];
	s0 =	simm.s32 @p1 $0x1  }
0x15: {  	[smem:$0x3FB2] =	sst s0;
	s0 =	simm.s32 @!p2 $0x0  }
0x16: {  	s3 =	sld [smem:$0x3FDB];
	s0 =	simm.s32 @p2 $0x1  }
0x17: {  	s4 =	simm.s32 $0x1BF5;
	[smem:$0x3FB4] =	sst s0  }
0x18: {  	s0 =	sld [smem:$0x3F97];
	_ =	swait.ge [sflag:s4], $0x0  }
0x19: {  	s7 =	sld [smem:$0x3F98]  }
0x1a: {  	s8 =	sadd.s32 $0xFFFFE003, lr  }
0x1b: {  	s9 =	sadd.s32 $0xFFFFFEF7, lr;
	s5 =	simm.s32 $0xFFFFFFFF;
	p2 =	slt.u32 s8, $0xFFFFF086  }
0x1c: {  	p1 =	slt.u32 s9, $0xF7A;
	s5 =	simm.s32 @!p2 $0x0  }
0x1d: {  	s5 =	simm.s32 @p1 $0x1;
	p0 =	seq.s32 s7, s2  }
0x1e: {  	s7 =	smul.u32 @!p0 $0xF7A, s2;
	p2 =	seq.s32 @!p0 s5, $0x0  }
0x1f: {  	s9 =	smul.u32 $0xF7A, s1;
	s8 =	simm.s32 @!p0 $0x1BF5;
	p2 =	por !p2, p0  }
0x20: {  	[sflag:s8] =	ssyncset.s32 @!p0 $0xFFFFF086;
	s6 =	sadd.s32 @!p0 s3, s7;
	s7 =	simm.s32 @!p0 $0x108  }
0x21: {  	s3 =	sadd.s32 s3, s9;
	s6 =	sadd.s32 @!p0 $0x88, s6;
	s7 =	simm.s32 @p2 $0x1082  }
0x22: {  	[simem:s7], [sflag:s8] =	dma.local @!p0 [hbm:s6], $0xF7A  }
0x23: {  	s9 =	sor.u32 $0xD0000000, s2;
	s6 =	simm.s32 $0x108;
	_ =	swait.ge @!p0 [sflag:s8], $0x0  }
0x24: {  	s3 =	sadd.s32 $0x88, s3;
	s6 =	simm.s32 @!p1 $0x1082;
	[sflag:s4] =	ssyncset.s32 $0xFFFFF086  }
0x25: {  	[simem:s6], [sflag:s4] =	dma.local [hbm:s3], $0xF7A  }
0x26: {  	[smem:$0x3F98] =	sst s1;
	(tag) =	ssettag s2;
	_ =	strace s9  }
0x27: {  	s1 =	sld [smem:$0x3FA8]  }
0x28: {  	s2 =	sld [smem:$0x3FA9]  }
0x29: {  	s4 =	sld [smem:$0x3FAB]  }
0x2a: {  	p0 =	seq.s32 s5, $0x0;
	s5 =	sld [smem:$0x3FAC]  }
0x2b: {  	s6 =	sld [smem:$0x3FAD]  }
0x2c: {  	s7 =	sld [smem:$0x3FAE]  }
0x2d: {  	s3 =	simm.s32 $0x108;
	s8 =	sld [smem:$0x3FAF]  }
0x2e: {  	s3 =	simm.s32 @!p0 $0x1082;
	s9 =	sld [smem:$0x3FB0]  }
0x2f: {  	lr =	sadd.s32 s0, s3;
	s0 =	sld [smem:$0x3FA7]  }
0x30: {  	s3 =	sld [smem:$0x3FAA]  }
0x31: {  	[smem:$0x3FB3] =	sst s10  }
0x32: {  	s10 =	sld [smem:$0x3FB1];
	_ =	sdelay $0x3  }
0x33: {  	p0 =	seq.s32 s10, $0x1;
	s10 =	sld [smem:$0x3FB3];
	_ =	sdelay $0x3  }
0x34: {  	[smem:$0x3FB3] =	sst s10  }
0x35: {  	s10 =	sld [smem:$0x3FB2];
	_ =	sdelay $0x3  }
0x36: {  	p1 =	seq.s32 s10, $0x1;
	s10 =	sld [smem:$0x3FB3];
	_ =	sdelay $0x3  }
0x37: {  	[smem:$0x3FB3] =	sst s10  }
0x38: {  	s10 =	sld [smem:$0x3FB4]  }
0x39: {  	_ = 	snop;
	(pc) =	sbr.ind lr, $3  }
0x3a: {  	_ = 	snop  }
0x3b: {  	_ = 	snop  }
0x3c: {  	p2 =	seq.s32 s10, $0x1;
	s10 =	sld [smem:$0x3FB3]  }
0x3d: {  	_ =	shalt  }
0x3e: {  	_ =	shalt  }
0x3f: {  	_ =	shalt  }
0x40: {  	_ =	shalt  }
0x41: {  	_ =	shalt  }
0x42: {  	_ =	shalt  }
0x43: {  	_ =	shalt  }
0x44: {  	_ =	shalt  }
0x45: {  	_ =	shalt  }
0x46: {  	_ =	shalt  }
0x47: {  	_ =	shalt  }
0x48: {  	_ =	shalt  }
0x49: {  	_ =	shalt  }
0x4a: {  	_ =	shalt  }
0x4b: {  	_ =	shalt  }
0x4c: {  	_ =	shalt  }
0x4d: {  	_ =	shalt  }
0x4e: {  	_ =	shalt  }
0x4f: {  	_ =	shalt  }
0x50: {  	_ =	shalt  }
0x51: {  	_ =	shalt  }
0x52: {  	_ =	shalt  }
0x53: {  	_ =	shalt  }
0x54: {  	_ =	shalt  }
0x55: {  	_ =	shalt  }
0x56: {  	_ =	shalt  }
0x57: {  	_ =	shalt  }
0x58: {  	_ =	shalt  }
0x59: {  	_ =	shalt  }
0x5a: {  	_ =	shalt  }
0x5b: {  	_ =	shalt  }
0x5c: {  	_ =	shalt  }
0x5d: {  	_ =	shalt  }
0x5e: {  	_ =	shalt  }
0x5f: {  	_ =	shalt  }
0x60: {  	_ =	shalt  }
0x61: {  	_ =	shalt  }
0x62: {  	_ =	shalt  }
0x63: {  	_ =	shalt  }
0x64: {  	_ =	shalt  }
0x65: {  	_ =	shalt  }
0x66: {  	_ =	shalt  }
0x67: {  	_ =	shalt  }
0x68: {  	_ =	shalt  }
0x69: {  	_ =	shalt  }
0x6a: {  	_ =	shalt  }
0x6b: {  	_ =	shalt  }
0x6c: {  	_ =	shalt  }
0x6d: {  	_ =	shalt  }
0x6e: {  	_ =	shalt  }
0x6f: {  	_ =	shalt  }
0x70: {  	_ =	shalt  }
0x71: {  	_ =	shalt  }
0x72: {  	_ =	shalt  }
0x73: {  	_ =	shalt  }
0x74: {  	_ =	shalt  }
0x75: {  	_ =	shalt  }
0x76: {  	_ =	shalt  }
0x77: {  	_ =	shalt  }
0x78: {  	_ =	shalt  }
0x79: {  	_ =	shalt  }
0x7a: {  	_ =	shalt  }
0x7b: {  	_ =	shalt  }
0x7c: {  	_ =	shalt  }
0x7d: {  	_ =	shalt  }
0x7e: {  	_ =	shalt  }
0x7f: {  	_ =	shalt  }
0x80: {  	_ =	shalt  }
0x81: {  	_ =	shalt  }
0x82: {  	_ =	shalt  }
0x83: {  	_ =	shalt  }
0x84: {  	_ =	shalt  }
0x85: {  	_ =	shalt  }
0x86: {  	_ =	shalt  }
0x87: {  	_ =	shalt  }
.Lfunc_end0:
.L_simem_size_0:
called_computation.3_lowered:
.L_overlay_start_0:
0x88: {  	s2 =	sld [smem:$0x3FD9]  }
0x89: {  	s3 =	sld [smem:$0x3FFE];
	_ =	sdelay $0x1  }
0x8a: {  	s1 =	srdreg.scid  }
0x8b: {  	s0 =	sand.u32 $0x1, s1  }
0x8c: {  	s16 =	sshll.u32 s0, $0xA;
	s2 =	sadd.s32 s3, s2  }
0x8d: {  	s2 =	sadd.s32 s2, s16  }
0x8e: {  	[smem:$0x3FBF] =	sst s2  }
0x8f: {  	_ = 	snop  }
0x90: {  	(tm) =	ssettm $0x1  }
0x91: {  	s17 =	sld [smem:$0x3FFB];
	_ =	sdelay $0x3  }
0x92: {  	_ =	strace s17  }
0x93: {  	s2 =	sld [smem:$0x3FFC];
	_ =	sdelay $0x3  }
0x94: {  	_ =	strace s2  }
0x95: {  	s2 =	sld [smem:$0x3FFD];
	_ =	sdelay $0x3  }
0x96: {  	_ =	strace s2  }
0x97: {  	_ =	strace $0x8FFFFFFF  }
0x98: {  	s18 =	sld [smem:$0x3FDB];
	_ =	sdelay $0x1  }
0x99: {  	s19 =	simm.s32 $_scs_section_size  }
0x9a: {  	s4 =	simm.s32 $_size__tile_overlayer_lowered;
	s5 =	simm.s32 $_tile_overlayer_lowered  }
0x9b: {  	s22 =	simm.s32 $0x1BFF;
	s21 =	sshll.u32 s5, $0x1;
	s2 =	sadd.s32 s19, s18  }
0x9c: {  	s6 =	simm.s32 $0x0;
	s20 =	sshll.u32 s4, $0x1;
	s4 =	sadd.s32 s21, s2  }
0x9d: {  	[timem:s6], [sflag:s22] =	dma.local [hbm:s4], s20  }
0x9e: {  	_ =	swait.ge [sflag:s22], s20  }
0x9f: {  	s3 =	ssub.s32 $0x0, s20;
	[sflag:s22] =	ssyncset.done $0x0  }
0xa0: {  	[sflag:s22] =	ssyncadd.s32 s3;
	_ =	sdelay $0x1  }
0xa1: {  	s23 =	simm.s32 $0x1B8B  }
0xa2: {  	_ =	swait.ge [sflag:s23], $0x1  }
0xa3: {  	[sflag:s23] =	ssyncset.done $0x0  }
0xa4: {  	s25 =	simm.s32 $0x1B8E;
	s24 =	sld [smem:$0x3FFE];
	[sflag:s23] =	ssyncadd.s32 $0xFFFFFFFF  }
0xa5: {  	s26 =	simm.s32 $execute0_lowered;
	[smem:$0x3FD2] =	sst s25  }
0xa6: {  	s4 =	sshll.u32 s26, $0x1;
	_ =	strace $0x8000004F;
	[dreg:$0x1] =	wrdreg $0xFFFFFFFF  }
0xa7: {  	s28 =	simm.s32 $_size_execute0_lowered;
	s2 =	sadd.s32 s2, s4;
	[dreg:$0x0] =	wrdreg $0x0  }
0xa8: {  	s4 =	sshll.u32 s28, $0x1;
	[dreg:$0x2] =	wrdreg s2  }
0xa9: {  	[dreg:$0x3] =	wrdreg s4  }
0xaa: {  	[dreg:$0x4] =	wrdreg $0xC0  }
0xab: {  	_ =	task [dreg:s6], $0x5FFFF  }
0xac: {  	[dreg:$0x1] =	wrdreg $0xFFFFFFFF  }
0xad: {  	[dreg:$0x0] =	wrdreg $0x60  }
0xae: {  	[dreg:$0x2] =	wrdreg s24  }
0xaf: {  	[dreg:$0x3] =	wrdreg $0x6F000  }
0xb0: {  	[dreg:$0x4] =	wrdreg $0x9  }
0xb1: {  	_ =	task.clear_ibuf [dreg:s6], $0x5FFFF;
	_ =	strace $0x9000004F  }
0xb2: {  	s29 =	simm.s32 $0x9;
	_ =	strace $0x80000051  }
0xb3: {  	_ =	swait.ge [sflag:s29], $0x1  }
0xb4: {  	[sflag:s29] =	ssyncadd.s32 $0xFFFFFFFF  }
0xb5: {  	_ =	strace $0x90000051  }
0xb6: {  	_ =	sfence  }
0xb7: {  	s30 =	sld [smem:$0x0];
	_ =	sdelay $0x2  }
0xb8: {  	s31 =	sshll.u32 s1, $0xD;
	s1 =	sshrl.u32 s1, $0x2  }
0xb9: {  	s3 =	sand.u32 $0x4000, s31;
	s1 =	sadd.s32 s1, s30  }
0xba: {  	s0 =	sor.u32 s3, s0;
	s1 =	sshll.u32 s1, $0x11  }
0xbb: {  	s0 =	sor.u32 s1, s0  }
0xbc: {  	s0 =	sadd.s32 $0x8F2B, s0  }
0xbd: {  	[sflag:s0] =	ssyncadd.remote.s32 $0x1  }
0xbe: {  	_ =	sfence.sel $0xFFFF  }
0xbf: {  	[dreg:$0x0] =	wrdreg $0xFFFFFFFF;
	(pc) =	sbr.abs _section_cstart, $3  }
0xc0: {  	[dreg:$0x1] =	wrdreg $0xFFFFFFFF  }
0xc1: {  	_ =	task.clear_ibuf [dreg:s6], $0x2FFFF;
	_ =	strace $0x9FFFFFFF  }
0xc2: {  	(tm) =	ssettm $0x7FFFFFFF  }
0xc3: {  	_ =	shalt  }
tec
execute0_lowered:
.L_overlay_start_1:
0x0: {  	(tag) =	ssettag $0x1  }
0x1: {  	s5 =	rddreg [dreg:$0x0]  }
0x2: {  	s0 =	srdreg.scid;
	s2 =	rddreg [dreg:$0x1]  }
0x3: {  	s1 =	rddreg [dreg:$0x2];
	s6 =	sand.u32 $0x1, s0  }
0x4: {  	s0 =	stileid.u32;
	s4 =	smul.u32 $0x27800, s6  }
0x5: {  	s3 =	simm.s32 $0x0;
	s14 =	simm.s32 $0x80;
	s7 =	smul.u32 $0x2780, s0  }
0x6: {  	s15 =	simm.s32 $0x4F00;
	s16 =	simm.s32 $0x1;
	s8 =	smul.u32 $0xA000, s0  }
0x7: {  	s17 =	simm.s32 $0x0;
	[smem:$0x7FF] =	sst s3;
	s9 =	smul.u32 $0xA0000, s6  }
0x8: {  	_ =	strace $0x80000050;
	s6 =	ssub.s32 $0x2, s6;
	s12 =	sshll.u32 s0, $0x6  }
0x9: {  	s11 =	sshrl.u32 s6, $0x1;
	s12 =	sor.u32 $0x1C02, s12;
	s7 =	sadd.s32 s7, s4  }
0xa: {  	s4 =	sadd.s32 $0xD600, s5;
	s9 =	sadd.s32 s8, s9;
	s10 =	sshrl.u32 s8, $0x3  }
0xb: {  	s11 =	ssub.s32 s6, s11;
	s13 =	sadd.s32 s8, s2;
	s7 =	sshrl.u32 s7, $0x3  }
0xc: {  	s9 =	sshrl.u32 s9, $0x3;
	s10 =	sadd.s32 s10, s5;
	s7 =	sadd.s32 s7, s5  }
0xd: {  	s13 =	sshrl.u32 s13, $0x3;
	s9 =	sadd.s32 s9, s5;
	s5 =	sadd.s32 $0x8F600, s7  }
0xe: {  	s6 =	sadd.s32 $0x3800, s7;
	s7 =	sadd.s32 $0x21600, s10;
	s8 =	sadd.s32 $0x5D600, s9  }
0xf: {  	s9 =	smax.u32 s11, $0x1;
	s10 =	simm.s32 $0x2;
	s11 =	simm.s32 $0x2780  }
.LBB2_1:
0x10: {  	[tilespmem:s3], [sflag:$0x2] =	stream.linear.gather [hbm4b:s5+s3], $0x2780, $0x38;
	[tilespmem:$0x10F00] =	vst v63  }
0x11: {  	_ =	swait.ge [sflag:s10], $0x2780  }
0x12: {  	[sflag:s10] =	ssyncset.done $0x0  }
0x13: {  	[sflag:s10] =	ssyncadd.s32 $0xFFFFD880  }
0x14: {  	[tilespmem:s11], [sflag:$0x2] =	stream.linear.gather [hbm4b:s6+s3], $0x2780, $0x38;
	[tilespmem:$0x10F00] =	vst v63  }
0x15: {  	_ =	swait.ge [sflag:s10], $0x2780  }
0x16: {  	[sflag:s10] =	ssyncset.done $0x0  }
0x17: {  	[sflag:s10] =	ssyncadd.s32 $0xFFFFD880  }
0x18: {  	[spmem:s13], [sflag:s12] =	dma.local [hbm:s7], $0x1400  }
0x19: {  	_ =	swait.ge [sflag:s10], $0x1400  }
0x1a: {  	[sflag:s10] =	ssyncset.done $0x0  }
0x1b: {  	[sflag:s10] =	ssyncadd.s32 $0xFFFFEC00  }
0x1c: {  	s18 =	simm.s32 $0x0;
	[bflag:$0x0] =	sbarrier.arrive $0xFFFF  }
0x1d: {  	[tilespmem:s15], [sflag:$0x1] =	stream.indirect.gather [hbm4b:s4+s14], $0x40, s18, s14, $0xb8;
	[tilespmem:$0x10F00] =	vst v63  }
0x1e: {  	_ =	swait.ge [sflag:s16], $0x2000  }
0x1f: {  	[sflag:s16] =	ssyncset.done $0x0  }
0x20: {  	s31 =	simm.s32 $0x2780;
	[sflag:s16] =	ssyncadd.s32 $0xFFFFE000  }
0x21: {  	[spmem:s2] =	stream.indirect.scatter.add.f32 [tilespmem:s15], [sflag:$0x2], $0x40, s31, s14, $0xb8;
	[tilespmem:$0x10F00] =	vst v63  }
0x22: {  	_ =	swait.ge [sflag:s10], $0x2000  }
0x23: {  	s19 =	simm.s32 $0x400;
	s18 =	simm.s32 $0x200;
	[sflag:s10] =	ssyncset.done $0x0  }
.LBB2_2:
0x24: {  	s20 =	sshra.s32 s18, $0x2  }
0x25: {  	[sflag:s10] =	ssyncadd.s32 $0xFFFFE000;
	s18 =	smov.u32 s19;
	s21 =	sadd.s32 $0x200, s19  }
0x26: {  	[tilespmem:s15], [sflag:$0x1] =	stream.indirect.gather [hbm4b:s4+s14], $0x40, s20, s14, $0xb8;
	[tilespmem:$0x10F00] =	vst v63  }
0x27: {  	p0 =	sne.s32 s19, $0x9C00;
	_ =	swait.ge [sflag:s16], $0x2000  }
.Ltmp0:
0x28: {  	[sflag:s16] =	ssyncset.done $0x0;
	(pc) =	sbr.rel @p0 .LBB2_2-.Ltmp0, $4  }
0x29: {  	s19 =	sadd.s32 $0x2780, s20;
	[sflag:s16] =	ssyncadd.s32 $0xFFFFE000  }
0x2a: {  	[spmem:s2] =	stream.indirect.scatter.add.f32 [tilespmem:s15], [sflag:$0x2], $0x40, s19, s14, $0xb8;
	[tilespmem:$0x10F00] =	vst v63  }
0x2b: {  	_ =	swait.ge [sflag:s10], $0x2000  }
0x2c: {  	s19 =	smov.u32 s21;
	[sflag:s10] =	ssyncset.done $0x0  }
0x2d: {  	s18 =	sshra.s32 s18, $0x2;
	[sflag:s10] =	ssyncadd.s32 $0xFFFFE000  }
0x2e: {  	[tilespmem:s15], [sflag:$0x1] =	stream.indirect.gather [hbm4b:s4+s14], $0x40, s18, s14, $0xb8;
	[tilespmem:$0x10F00] =	vst v63  }
0x2f: {  	_ =	swait.ge [sflag:s16], $0x2000  }
0x30: {  	[sflag:s16] =	ssyncset.done $0x0  }
0x31: {  	s18 =	sadd.s32 $0x2780, s18;
	[sflag:s16] =	ssyncadd.s32 $0xFFFFE000  }
0x32: {  	[spmem:s2] =	stream.indirect.scatter.add.f32 [tilespmem:s15], [sflag:$0x2], $0x40, s18, s14, $0xb8;
	[tilespmem:$0x10F00] =	vst v63  }
0x33: {  	_ =	swait.ge [sflag:s10], $0x2000  }
0x34: {  	s17 =	sadd.s32 $0x1, s17;
	[sflag:s10] =	ssyncset.done $0x0  }
0x35: {  	p0 =	sne.s32 s17, s9;
	[sflag:s10] =	ssyncadd.s32 $0xFFFFE000  }
.Ltmp1:
0x36: {  	[bflag:$0x0] =	sbarrier.arrive $0xFFFF;
	(pc) =	sbr.rel @p0 .LBB2_1-.Ltmp1, $4  }
0x37: {  	[hbm:s8], [sflag:s12] =	dma.local [spmem:s13], $0x1400  }
0x38: {  	_ =	swait.ge [sflag:s10], $0x1400  }
0x39: {  	[sflag:s10] =	ssyncset.done $0x0  }
0x3a: {  	[sflag:s10] =	ssyncadd.s32 $0xFFFFEC00  }
0x3b: {  	_ =	sfence.sel $0x180000  }
0x3c: {  	[bflag:$0x0] =	sbarrier.arrive $0xFFFF  }
0x3d: {  	p0 =	sne.s32 s0, $0x0;
	_ =	strace $0x90000050  }
0x3e: {  	s0 =	sadd.s32 @!p0 $0x100000, s1;
	[bflag:$0x2] =	sbarrier.arrive $0xFFFF  }
0x3f: {  	[sflag:s0] =	ssyncadd.tile.s32 @!p0 $0x1;
	_ =	shalt  }
.Lfunc_end2:
_tile_overlayer_lowered:
.L_overlay_start_2:
0x40: {  	(tag) =	ssettag $0x2  }
0x41: {  	s0 =	rddreg [dreg:$0x0];
	s2 =	stileid.u32  }
0x42: {  	s1 =	rddreg [dreg:$0x1];
	p0 =	sne.s32 s2, $0x0  }
0x43: {  	s3 =	rddreg [dreg:$0x2];
	[bflag:$0x3] =	sbarrier.arrive $0xFFFF;
	s2 =	simm.s32 @!p0 $0x1C02  }
0x44: {  	[timem:s3], [sflag:s2] =	dma.local @!p0 [hbm:s0], s1  }
0x45: {  	s0 =	simm.s32 @!p0 $0x2  }
0x46: {  	_ =	swait.ge @!p0 [sflag:s0], s1  }
0x47: {  	s1 =	ssub.s32 @!p0 $0x0, s1;
	[sflag:s0] =	ssyncset.done @!p0 $0x0  }
0x48: {  	[sflag:s0] =	ssyncadd.s32 @!p0 s1  }
0x49: {  	[bflag:$0x3] =	sbarrier.arrive $0xFFFF  }
0x4a: {  	_ =	shalt  }

</sc_bundles>
